<compile_context>
chip_gen: v7x
topology: tpu7x:2x2x1
jax: 0.10.2.dev20260603
libtpu: 0.0.44.dev20260713+nightly
codegen_flags: <defaults>
</compile_context>

<pallas_src>
import jax
import jax.numpy as jnp
from jax import lax
from jax.experimental import pallas as pl
from jax.experimental.pallas import tpu as pltpu
from jax.experimental.pallas import tpu_sc as plsc

B = 16384
D = 128
NC = 2
NS = 16
NW = NC * NS
B_PER_W = B // NW
CHUNK = 128
N_CHUNKS = B_PER_W // CHUNK
ROWS = 288
REP = 16
RPC = REP // NC
L = 16
SUB = 24


def _gather_body(idx_hbm, table_hbm, out_hbm, rep_hbm, idx_v, tbl_v, rows_v, sem, bsem):
    c = lax.axis_index("c")
    s = lax.axis_index("s")
    wid = s * NC + c
    base = wid * B_PER_W
    d_idx = pltpu.async_copy(
        idx_hbm.at[pl.ds(wid * N_CHUNKS, N_CHUNKS)], idx_v, sem
    )

    @pl.when(s < ROWS // SUB)
    def _build():
        pltpu.sync_copy(table_hbm.at[pl.ds(s * SUB, SUB)], tbl_v)
        writes = [
            pltpu.async_copy(
                tbl_v,
                rep_hbm.at[pl.ds((c * RPC + r) * ROWS + s * SUB, SUB)],
                bsem,
            )
            for r in range(RPC)
        ]
        for w in writes:
            w.wait()

    d_idx.wait()

    rep_off = (c * RPC + s % RPC) * ROWS
    offv = jnp.full((L,), rep_off, dtype=jnp.int32)
    for j in range(N_CHUNKS):
        for k in range(CHUNK // L):
            idx_v[j, pl.ds(k * L, L)] = idx_v[j, pl.ds(k * L, L)] + offv

    plsc.subcore_barrier()

    descs = [
        pltpu.async_copy(
            rep_hbm.at[idx_v.at[j]],
            rows_v.at[pl.ds(j * CHUNK, CHUNK)],
            sem,
        )
        for j in range(N_CHUNKS)
    ]
    for d in descs:
        d.wait()
    pltpu.sync_copy(rows_v, out_hbm.at[pl.ds(base, B_PER_W)])


@jax.jit
def kernel(batch_rels, table):
    idx = batch_rels.astype(jnp.int32).reshape(NW * N_CHUNKS, CHUNK)
    mesh = plsc.VectorSubcoreMesh(
        core_axis_name="c", subcore_axis_name="s", num_cores=NC, num_subcores=NS
    )
    f = pl.kernel(
        _gather_body,
        out_type=(
            jax.ShapeDtypeStruct((B, D), jnp.float32),
            jax.ShapeDtypeStruct((REP * ROWS, D), jnp.float32),
        ),
        mesh=mesh,
        scratch_types=[
            pltpu.VMEM((N_CHUNKS, CHUNK), jnp.int32),
            pltpu.VMEM((SUB, D), jnp.float32),
            pltpu.VMEM((B_PER_W, D), jnp.float32),
            pltpu.SemaphoreType.DMA,
            pltpu.SemaphoreType.DMA,
        ],
    )
    out, _ = f(idx, table)
    return out

# --- scband reference (transcript-rebuilt; emitter-appended) ---
"""Pipeline reference for scband-singularized-relation-encoder-84387517432591 (READ-ONLY COPY).

The authoritative reference and input builder live on the scoring server;
editing this copy changes nothing except your own understanding.
"""

import jax, jax.numpy as jnp
import numpy as np

ARITIES = [2] * 96 + [3] * 32
DIM_REL = 128
TOTAL_ROWS = sum(ARITIES)  # 288 singularized relation embeddings
BATCH = 16384


def setup_inputs(seed: int = 0) -> dict:
    key = jax.random.key(seed)
    k1, k2 = jax.random.split(key)
    # Each singularized relation (i_r, i_emb) maps deterministically to a flat row:
    # row = offsets[i_r] + i_emb, where offsets = cumsum of arities. We sample flat rows.
    batch_rels = jax.random.randint(k1, (BATCH,), 0, TOTAL_ROWS)
    # The ParameterDict of per-(relation, arg-position) vectors, flattened into one table.
    # Original init: nn.init.normal_(rel, std=1/dim_rel**0.5)
    table = jax.random.normal(k2, (TOTAL_ROWS, DIM_REL), dtype=jnp.float32) * (1.0 / np.sqrt(DIM_REL))
    return {"batch_rels": batch_rels, "table": table}


def reference(batch_rels, table):
    # Faithful to the torch forward: for each singularized relation, look up its
    # embedding parameter and stack along dim 0 -> [B, dim_rel].
    out = jnp.take(table, batch_rels, axis=0)
    return out

if __name__ == "__main__":
    import jax
    _d = setup_inputs()
    print(jax.jit(kernel)(*tuple(_d.values())))

</pallas_src>

<mosaic_0001>
#map = affine_map<(d0, d1) -> (0, 0)>
module attributes {stable_mosaic.version = 14 : i64} {
  func.func @_gather_body(%arg0: i32, %arg1: i32, %arg2: memref<128x128xi32, #tpu.memory_space<hbm>>, %arg3: memref<288x128xf32, #tpu.memory_space<hbm>>, %arg4: memref<16384x128xf32, #tpu.memory_space<hbm>>, %arg5: memref<4608x128xf32, #tpu.memory_space<hbm>>, %arg6: memref<4x128xi32, #tpu.memory_space<vmem>>, %arg7: memref<24x128xf32, #tpu.memory_space<vmem>>, %arg8: memref<512x128xf32, #tpu.memory_space<vmem>>, %arg9: memref<!tpu.dma_semaphore, #tpu.memory_space<semaphore_mem>>, %arg10: memref<!tpu.dma_semaphore, #tpu.memory_space<semaphore_mem>>) attributes {dimension_semantics = [#tpu.dimension_semantics<core_parallel>, #tpu.dimension_semantics<subcore_parallel>], iteration_bounds = array<i64: 2, 16>, scalar_prefetch = 0 : i64, scratch_operands = 5 : i64, tpu.core_type = #tpu.core_type<sc_vector_subcore>, window_params = [{transform_indices = #map}, {transform_indices = #map}, {transform_indices = #map}, {transform_indices = #map}]} {
    %mul3A = arith.constant 2 : i32
    %mul3A_0 = arith.muli %arg1, %mul3A : i32
    %add3A = arith.addi %mul3A_0, %arg0 : i32
    %mul3A_1 = arith.constant 512 : i32
    %mul3A_2 = arith.muli %add3A, %mul3A_1 : i32
    %mul3A_3 = arith.constant 4 : i32
    %mul3A_4 = arith.muli %add3A, %mul3A_3 : i32
    %dma_start3A = arith.constant 0 : i32
    %dma_start3A_5 = tpu.memref_slice %arg2[%mul3A_4, %dma_start3A] : memref<128x128xi32, #tpu.memory_space<hbm>> -> memref<4x128xi32, #tpu.memory_space<hbm>>
    %dma_start3A_6 = arith.constant 0 : i32
    %dma_start3A_7 = tpu.memref_slice %arg2[%mul3A_4, %dma_start3A_6] : memref<128x128xi32, #tpu.memory_space<hbm>> -> memref<4x128xi32, #tpu.memory_space<hbm>>
    tpu.enqueue_dma source(%dma_start3A_7 : memref<4x128xi32, #tpu.memory_space<hbm>>) target(%arg6 : memref<4x128xi32, #tpu.memory_space<vmem>>) target_semaphore(%arg9 : memref<!tpu.dma_semaphore, #tpu.memory_space<semaphore_mem>>)
    %lt3A = arith.constant 12 : i32
    %lt3A_8 = arith.cmpi slt, %arg1, %lt3A : i32
    %convert_element_type3A = arith.extui %lt3A_8 : i1 to i32
    %cond3A = arith.constant 0 : i32
    %cond3A_9 = arith.cmpi ne, %convert_element_type3A, %cond3A : i32
    scf.if %cond3A_9 {
      %mul3A_490 = arith.constant 24 : i32
      %mul3A_491 = arith.muli %arg1, %mul3A_490 : i32
      "tpu.region"() ({
        %run_scoped3A = tpu.sem_alloc : memref<!tpu.dma_semaphore, #tpu.memory_space<semaphore_mem>>
        %dma_start3A_628 = arith.constant 0 : i32
        %dma_start3A_629 = tpu.memref_slice %arg3[%mul3A_491, %dma_start3A_628] : memref<288x128xf32, #tpu.memory_space<hbm>> -> memref<24x128xf32, #tpu.memory_space<hbm>>
        %dma_start3A_630 = arith.constant 0 : i32
        %dma_start3A_631 = tpu.memref_slice %arg3[%mul3A_491, %dma_start3A_630] : memref<288x128xf32, #tpu.memory_space<hbm>> -> memref<24x128xf32, #tpu.memory_space<hbm>>
        tpu.enqueue_dma source(%dma_start3A_631 : memref<24x128xf32, #tpu.memory_space<hbm>>) target(%arg7 : memref<24x128xf32, #tpu.memory_space<vmem>>) target_semaphore(%run_scoped3A : memref<!tpu.dma_semaphore, #tpu.memory_space<semaphore_mem>>)
        %dma_wait3A_632 = arith.constant 0 : i32
        %dma_wait3A_633 = tpu.memref_slice %arg3[%mul3A_491, %dma_wait3A_632] : memref<288x128xf32, #tpu.memory_space<hbm>> -> memref<24x128xf32, #tpu.memory_space<hbm>>
        %dma_wait3A_634 = arith.constant 0 : i32
        %dma_wait3A_635 = tpu.memref_slice %arg3[%mul3A_491, %dma_wait3A_634] : memref<288x128xf32, #tpu.memory_space<hbm>> -> memref<24x128xf32, #tpu.memory_space<hbm>>
        tpu.wait_dma2 semaphore(%run_scoped3A : memref<!tpu.dma_semaphore, #tpu.memory_space<semaphore_mem>>) src(%dma_wait3A_635 : memref<24x128xf32, #tpu.memory_space<hbm>>) dst(%arg7 : memref<24x128xf32, #tpu.memory_space<vmem>>)
        tpu.yield
      }) : () -> ()
      %mul3A_492 = arith.constant 8 : i32
      %mul3A_493 = arith.muli %arg0, %mul3A_492 : i32
      %add3A_494 = arith.constant 0 : i32
      %add3A_495 = arith.addi %mul3A_493, %add3A_494 : i32
      %mul3A_496 = arith.constant 288 : i32
      %mul3A_497 = arith.muli %add3A_495, %mul3A_496 : i32
      %mul3A_498 = arith.constant 24 : i32
      %mul3A_499 = arith.muli %arg1, %mul3A_498 : i32
      %add3A_500 = arith.addi %mul3A_497, %mul3A_499 : i32
      %dma_start3A_501 = arith.constant 0 : i32
      %dma_start3A_502 = tpu.memref_slice %arg5[%add3A_500, %dma_start3A_501] : memref<4608x128xf32, #tpu.memory_space<hbm>> -> memref<24x128xf32, #tpu.memory_space<hbm>>
      %dma_start3A_503 = arith.constant 0 : i32
      %dma_start3A_504 = tpu.memref_slice %arg5[%add3A_500, %dma_start3A_503] : memref<4608x128xf32, #tpu.memory_space<hbm>> -> memref<24x128xf32, #tpu.memory_space<hbm>>
      tpu.enqueue_dma source(%arg7 : memref<24x128xf32, #tpu.memory_space<vmem>>) target(%dma_start3A_504 : memref<24x128xf32, #tpu.memory_space<hbm>>) target_semaphore(%arg10 : memref<!tpu.dma_semaphore, #tpu.memory_space<semaphore_mem>>)
      %mul3A_505 = arith.constant 8 : i32
      %mul3A_506 = arith.muli %arg0, %mul3A_505 : i32
      %add3A_507 = arith.constant 1 : i32
      %add3A_508 = arith.addi %mul3A_506, %add3A_507 : i32
      %mul3A_509 = arith.constant 288 : i32
      %mul3A_510 = arith.muli %add3A_508, %mul3A_509 : i32
      %mul3A_511 = arith.constant 24 : i32
      %mul3A_512 = arith.muli %arg1, %mul3A_511 : i32
      %add3A_513 = arith.addi %mul3A_510, %mul3A_512 : i32
      %dma_start3A_514 = arith.constant 0 : i32
      %dma_start3A_515 = tpu.memref_slice %arg5[%add3A_513, %dma_start3A_514] : memref<4608x128xf32, #tpu.memory_space<hbm>> -> memref<24x128xf32, #tpu.memory_space<hbm>>
      %dma_start3A_516 = arith.constant 0 : i32
      %dma_start3A_517 = tpu.memref_slice %arg5[%add3A_513, %dma_start3A_516] : memref<4608x128xf32, #tpu.memory_space<hbm>> -> memref<24x128xf32, #tpu.memory_space<hbm>>
      tpu.enqueue_dma source(%arg7 : memref<24x128xf32, #tpu.memory_space<vmem>>) target(%dma_start3A_517 : memref<24x128xf32, #tpu.memory_space<hbm>>) target_semaphore(%arg10 : memref<!tpu.dma_semaphore, #tpu.memory_space<semaphore_mem>>)
      %mul3A_518 = arith.constant 8 : i32
      %mul3A_519 = arith.muli %arg0, %mul3A_518 : i32
      %add3A_520 = arith.constant 2 : i32
      %add3A_521 = arith.addi %mul3A_519, %add3A_520 : i32
      %mul3A_522 = arith.constant 288 : i32
      %mul3A_523 = arith.muli %add3A_521, %mul3A_522 : i32
      %mul3A_524 = arith.constant 24 : i32
      %mul3A_525 = arith.muli %arg1, %mul3A_524 : i32
      %add3A_526 = arith.addi %mul3A_523, %mul3A_525 : i32
      %dma_start3A_527 = arith.constant 0 : i32
      %dma_start3A_528 = tpu.memref_slice %arg5[%add3A_526, %dma_start3A_527] : memref<4608x128xf32, #tpu.memory_space<hbm>> -> memref<24x128xf32, #tpu.memory_space<hbm>>
      %dma_start3A_529 = arith.constant 0 : i32
      %dma_start3A_530 = tpu.memref_slice %arg5[%add3A_526, %dma_start3A_529] : memref<4608x128xf32, #tpu.memory_space<hbm>> -> memref<24x128xf32, #tpu.memory_space<hbm>>
      tpu.enqueue_dma source(%arg7 : memref<24x128xf32, #tpu.memory_space<vmem>>) target(%dma_start3A_530 : memref<24x128xf32, #tpu.memory_space<hbm>>) target_semaphore(%arg10 : memref<!tpu.dma_semaphore, #tpu.memory_space<semaphore_mem>>)
      %mul3A_531 = arith.constant 8 : i32
      %mul3A_532 = arith.muli %arg0, %mul3A_531 : i32
      %add3A_533 = arith.constant 3 : i32
      %add3A_534 = arith.addi %mul3A_532, %add3A_533 : i32
      %mul3A_535 = arith.constant 288 : i32
      %mul3A_536 = arith.muli %add3A_534, %mul3A_535 : i32
      %mul3A_537 = arith.constant 24 : i32
      %mul3A_538 = arith.muli %arg1, %mul3A_537 : i32
      %add3A_539 = arith.addi %mul3A_536, %mul3A_538 : i32
      %dma_start3A_540 = arith.constant 0 : i32
      %dma_start3A_541 = tpu.memref_slice %arg5[%add3A_539, %dma_start3A_540] : memref<4608x128xf32, #tpu.memory_space<hbm>> -> memref<24x128xf32, #tpu.memory_space<hbm>>
      %dma_start3A_542 = arith.constant 0 : i32
      %dma_start3A_543 = tpu.memref_slice %arg5[%add3A_539, %dma_start3A_542] : memref<4608x128xf32, #tpu.memory_space<hbm>> -> memref<24x128xf32, #tpu.memory_space<hbm>>
      tpu.enqueue_dma source(%arg7 : memref<24x128xf32, #tpu.memory_space<vmem>>) target(%dma_start3A_543 : memref<24x128xf32, #tpu.memory_space<hbm>>) target_semaphore(%arg10 : memref<!tpu.dma_semaphore, #tpu.memory_space<semaphore_mem>>)
      %mul3A_544 = arith.constant 8 : i32
      %mul3A_545 = arith.muli %arg0, %mul3A_544 : i32
      %add3A_546 = arith.constant 4 : i32
      %add3A_547 = arith.addi %mul3A_545, %add3A_546 : i32
      %mul3A_548 = arith.constant 288 : i32
      %mul3A_549 = arith.muli %add3A_547, %mul3A_548 : i32
      %mul3A_550 = arith.constant 24 : i32
      %mul3A_551 = arith.muli %arg1, %mul3A_550 : i32
      %add3A_552 = arith.addi %mul3A_549, %mul3A_551 : i32
      %dma_start3A_553 = arith.constant 0 : i32
      %dma_start3A_554 = tpu.memref_slice %arg5[%add3A_552, %dma_start3A_553] : memref<4608x128xf32, #tpu.memory_space<hbm>> -> memref<24x128xf32, #tpu.memory_space<hbm>>
      %dma_start3A_555 = arith.constant 0 : i32
      %dma_start3A_556 = tpu.memref_slice %arg5[%add3A_552, %dma_start3A_555] : memref<4608x128xf32, #tpu.memory_space<hbm>> -> memref<24x128xf32, #tpu.memory_space<hbm>>
      tpu.enqueue_dma source(%arg7 : memref<24x128xf32, #tpu.memory_space<vmem>>) target(%dma_start3A_556 : memref<24x128xf32, #tpu.memory_space<hbm>>) target_semaphore(%arg10 : memref<!tpu.dma_semaphore, #tpu.memory_space<semaphore_mem>>)
      %mul3A_557 = arith.constant 8 : i32
      %mul3A_558 = arith.muli %arg0, %mul3A_557 : i32
      %add3A_559 = arith.constant 5 : i32
      %add3A_560 = arith.addi %mul3A_558, %add3A_559 : i32
      %mul3A_561 = arith.constant 288 : i32
      %mul3A_562 = arith.muli %add3A_560, %mul3A_561 : i32
      %mul3A_563 = arith.constant 24 : i32
      %mul3A_564 = arith.muli %arg1, %mul3A_563 : i32
      %add3A_565 = arith.addi %mul3A_562, %mul3A_564 : i32
      %dma_start3A_566 = arith.constant 0 : i32
      %dma_start3A_567 = tpu.memref_slice %arg5[%add3A_565, %dma_start3A_566] : memref<4608x128xf32, #tpu.memory_space<hbm>> -> memref<24x128xf32, #tpu.memory_space<hbm>>
      %dma_start3A_568 = arith.constant 0 : i32
      %dma_start3A_569 = tpu.memref_slice %arg5[%add3A_565, %dma_start3A_568] : memref<4608x128xf32, #tpu.memory_space<hbm>> -> memref<24x128xf32, #tpu.memory_space<hbm>>
      tpu.enqueue_dma source(%arg7 : memref<24x128xf32, #tpu.memory_space<vmem>>) target(%dma_start3A_569 : memref<24x128xf32, #tpu.memory_space<hbm>>) target_semaphore(%arg10 : memref<!tpu.dma_semaphore, #tpu.memory_space<semaphore_mem>>)
      %mul3A_570 = arith.constant 8 : i32
      %mul3A_571 = arith.muli %arg0, %mul3A_570 : i32
      %add3A_572 = arith.constant 6 : i32
      %add3A_573 = arith.addi %mul3A_571, %add3A_572 : i32
      %mul3A_574 = arith.constant 288 : i32
      %mul3A_575 = arith.muli %add3A_573, %mul3A_574 : i32
      %mul3A_576 = arith.constant 24 : i32
      %mul3A_577 = arith.muli %arg1, %mul3A_576 : i32
      %add3A_578 = arith.addi %mul3A_575, %mul3A_577 : i32
      %dma_start3A_579 = arith.constant 0 : i32
      %dma_start3A_580 = tpu.memref_slice %arg5[%add3A_578, %dma_start3A_579] : memref<4608x128xf32, #tpu.memory_space<hbm>> -> memref<24x128xf32, #tpu.memory_space<hbm>>
      %dma_start3A_581 = arith.constant 0 : i32
      %dma_start3A_582 = tpu.memref_slice %arg5[%add3A_578, %dma_start3A_581] : memref<4608x128xf32, #tpu.memory_space<hbm>> -> memref<24x128xf32, #tpu.memory_space<hbm>>
      tpu.enqueue_dma source(%arg7 : memref<24x128xf32, #tpu.memory_space<vmem>>) target(%dma_start3A_582 : memref<24x128xf32, #tpu.memory_space<hbm>>) target_semaphore(%arg10 : memref<!tpu.dma_semaphore, #tpu.memory_space<semaphore_mem>>)
      %mul3A_583 = arith.constant 8 : i32
      %mul3A_584 = arith.muli %arg0, %mul3A_583 : i32
      %add3A_585 = arith.constant 7 : i32
      %add3A_586 = arith.addi %mul3A_584, %add3A_585 : i32
      %mul3A_587 = arith.constant 288 : i32
      %mul3A_588 = arith.muli %add3A_586, %mul3A_587 : i32
      %mul3A_589 = arith.constant 24 : i32
      %mul3A_590 = arith.muli %arg1, %mul3A_589 : i32
      %add3A_591 = arith.addi %mul3A_588, %mul3A_590 : i32
      %dma_start3A_592 = arith.constant 0 : i32
      %dma_start3A_593 = tpu.memref_slice %arg5[%add3A_591, %dma_start3A_592] : memref<4608x128xf32, #tpu.memory_space<hbm>> -> memref<24x128xf32, #tpu.memory_space<hbm>>
      %dma_start3A_594 = arith.constant 0 : i32
      %dma_start3A_595 = tpu.memref_slice %arg5[%add3A_591, %dma_start3A_594] : memref<4608x128xf32, #tpu.memory_space<hbm>> -> memref<24x128xf32, #tpu.memory_space<hbm>>
      tpu.enqueue_dma source(%arg7 : memref<24x128xf32, #tpu.memory_space<vmem>>) target(%dma_start3A_595 : memref<24x128xf32, #tpu.memory_space<hbm>>) target_semaphore(%arg10 : memref<!tpu.dma_semaphore, #tpu.memory_space<semaphore_mem>>)
      %dma_wait3A_596 = arith.constant 0 : i32
      %dma_wait3A_597 = tpu.memref_slice %arg5[%add3A_500, %dma_wait3A_596] : memref<4608x128xf32, #tpu.memory_space<hbm>> -> memref<24x128xf32, #tpu.memory_space<hbm>>
      %dma_wait3A_598 = arith.constant 0 : i32
      %dma_wait3A_599 = tpu.memref_slice %arg5[%add3A_500, %dma_wait3A_598] : memref<4608x128xf32, #tpu.memory_space<hbm>> -> memref<24x128xf32, #tpu.memory_space<hbm>>
      tpu.wait_dma2 semaphore(%arg10 : memref<!tpu.dma_semaphore, #tpu.memory_space<semaphore_mem>>) src(%arg7 : memref<24x128xf32, #tpu.memory_space<vmem>>) dst(%dma_wait3A_599 : memref<24x128xf32, #tpu.memory_space<hbm>>)
      %dma_wait3A_600 = arith.constant 0 : i32
      %dma_wait3A_601 = tpu.memref_slice %arg5[%add3A_513, %dma_wait3A_600] : memref<4608x128xf32, #tpu.memory_space<hbm>> -> memref<24x128xf32, #tpu.memory_space<hbm>>
      %dma_wait3A_602 = arith.constant 0 : i32
      %dma_wait3A_603 = tpu.memref_slice %arg5[%add3A_513, %dma_wait3A_602] : memref<4608x128xf32, #tpu.memory_space<hbm>> -> memref<24x128xf32, #tpu.memory_space<hbm>>
      tpu.wait_dma2 semaphore(%arg10 : memref<!tpu.dma_semaphore, #tpu.memory_space<semaphore_mem>>) src(%arg7 : memref<24x128xf32, #tpu.memory_space<vmem>>) dst(%dma_wait3A_603 : memref<24x128xf32, #tpu.memory_space<hbm>>)
      %dma_wait3A_604 = arith.constant 0 : i32
      %dma_wait3A_605 = tpu.memref_slice %arg5[%add3A_526, %dma_wait3A_604] : memref<4608x128xf32, #tpu.memory_space<hbm>> -> memref<24x128xf32, #tpu.memory_space<hbm>>
      %dma_wait3A_606 = arith.constant 0 : i32
      %dma_wait3A_607 = tpu.memref_slice %arg5[%add3A_526, %dma_wait3A_606] : memref<4608x128xf32, #tpu.memory_space<hbm>> -> memref<24x128xf32, #tpu.memory_space<hbm>>
      tpu.wait_dma2 semaphore(%arg10 : memref<!tpu.dma_semaphore, #tpu.memory_space<semaphore_mem>>) src(%arg7 : memref<24x128xf32, #tpu.memory_space<vmem>>) dst(%dma_wait3A_607 : memref<24x128xf32, #tpu.memory_space<hbm>>)
      %dma_wait3A_608 = arith.constant 0 : i32
      %dma_wait3A_609 = tpu.memref_slice %arg5[%add3A_539, %dma_wait3A_608] : memref<4608x128xf32, #tpu.memory_space<hbm>> -> memref<24x128xf32, #tpu.memory_space<hbm>>
      %dma_wait3A_610 = arith.constant 0 : i32
      %dma_wait3A_611 = tpu.memref_slice %arg5[%add3A_539, %dma_wait3A_610] : memref<4608x128xf32, #tpu.memory_space<hbm>> -> memref<24x128xf32, #tpu.memory_space<hbm>>
      tpu.wait_dma2 semaphore(%arg10 : memref<!tpu.dma_semaphore, #tpu.memory_space<semaphore_mem>>) src(%arg7 : memref<24x128xf32, #tpu.memory_space<vmem>>) dst(%dma_wait3A_611 : memref<24x128xf32, #tpu.memory_space<hbm>>)
      %dma_wait3A_612 = arith.constant 0 : i32
      %dma_wait3A_613 = tpu.memref_slice %arg5[%add3A_552, %dma_wait3A_612] : memref<4608x128xf32, #tpu.memory_space<hbm>> -> memref<24x128xf32, #tpu.memory_space<hbm>>
      %dma_wait3A_614 = arith.constant 0 : i32
      %dma_wait3A_615 = tpu.memref_slice %arg5[%add3A_552, %dma_wait3A_614] : memref<4608x128xf32, #tpu.memory_space<hbm>> -> memref<24x128xf32, #tpu.memory_space<hbm>>
      tpu.wait_dma2 semaphore(%arg10 : memref<!tpu.dma_semaphore, #tpu.memory_space<semaphore_mem>>) src(%arg7 : memref<24x128xf32, #tpu.memory_space<vmem>>) dst(%dma_wait3A_615 : memref<24x128xf32, #tpu.memory_space<hbm>>)
      %dma_wait3A_616 = arith.constant 0 : i32
      %dma_wait3A_617 = tpu.memref_slice %arg5[%add3A_565, %dma_wait3A_616] : memref<4608x128xf32, #tpu.memory_space<hbm>> -> memref<24x128xf32, #tpu.memory_space<hbm>>
      %dma_wait3A_618 = arith.constant 0 : i32
      %dma_wait3A_619 = tpu.memref_slice %arg5[%add3A_565, %dma_wait3A_618] : memref<4608x128xf32, #tpu.memory_space<hbm>> -> memref<24x128xf32, #tpu.memory_space<hbm>>
      tpu.wait_dma2 semaphore(%arg10 : memref<!tpu.dma_semaphore, #tpu.memory_space<semaphore_mem>>) src(%arg7 : memref<24x128xf32, #tpu.memory_space<vmem>>) dst(%dma_wait3A_619 : memref<24x128xf32, #tpu.memory_space<hbm>>)
      %dma_wait3A_620 = arith.constant 0 : i32
      %dma_wait3A_621 = tpu.memref_slice %arg5[%add3A_578, %dma_wait3A_620] : memref<4608x128xf32, #tpu.memory_space<hbm>> -> memref<24x128xf32, #tpu.memory_space<hbm>>
      %dma_wait3A_622 = arith.constant 0 : i32
      %dma_wait3A_623 = tpu.memref_slice %arg5[%add3A_578, %dma_wait3A_622] : memref<4608x128xf32, #tpu.memory_space<hbm>> -> memref<24x128xf32, #tpu.memory_space<hbm>>
      tpu.wait_dma2 semaphore(%arg10 : memref<!tpu.dma_semaphore, #tpu.memory_space<semaphore_mem>>) src(%arg7 : memref<24x128xf32, #tpu.memory_space<vmem>>) dst(%dma_wait3A_623 : memref<24x128xf32, #tpu.memory_space<hbm>>)
      %dma_wait3A_624 = arith.constant 0 : i32
      %dma_wait3A_625 = tpu.memref_slice %arg5[%add3A_591, %dma_wait3A_624] : memref<4608x128xf32, #tpu.memory_space<hbm>> -> memref<24x128xf32, #tpu.memory_space<hbm>>
      %dma_wait3A_626 = arith.constant 0 : i32
      %dma_wait3A_627 = tpu.memref_slice %arg5[%add3A_591, %dma_wait3A_626] : memref<4608x128xf32, #tpu.memory_space<hbm>> -> memref<24x128xf32, #tpu.memory_space<hbm>>
      tpu.wait_dma2 semaphore(%arg10 : memref<!tpu.dma_semaphore, #tpu.memory_space<semaphore_mem>>) src(%arg7 : memref<24x128xf32, #tpu.memory_space<vmem>>) dst(%dma_wait3A_627 : memref<24x128xf32, #tpu.memory_space<hbm>>)
    } else {
    }
    %dma_wait3A = arith.constant 0 : i32
    %dma_wait3A_10 = tpu.memref_slice %arg2[%mul3A_4, %dma_wait3A] : memref<128x128xi32, #tpu.memory_space<hbm>> -> memref<4x128xi32, #tpu.memory_space<hbm>>
    %dma_wait3A_11 = arith.constant 0 : i32
    %dma_wait3A_12 = tpu.memref_slice %arg2[%mul3A_4, %dma_wait3A_11] : memref<128x128xi32, #tpu.memory_space<hbm>> -> memref<4x128xi32, #tpu.memory_space<hbm>>
    tpu.wait_dma2 semaphore(%arg9 : memref<!tpu.dma_semaphore, #tpu.memory_space<semaphore_mem>>) src(%dma_wait3A_12 : memref<4x128xi32, #tpu.memory_space<hbm>>) dst(%arg6 : memref<4x128xi32, #tpu.memory_space<vmem>>)
    %mul3A_13 = arith.constant 8 : i32
    %mul3A_14 = arith.muli %arg0, %mul3A_13 : i32
    %jit3A = arith.constant 8 : i32
    %eq3A = arith.constant 0 : i32
    %eq3A_15 = arith.cmpi eq, %jit3A, %eq3A : i32
    %jit3A_16 = arith.constant 1 : i32
    %select_n3A = arith.select %eq3A_15, %jit3A_16, %jit3A : i32
    %rem3A = arith.remsi %arg1, %select_n3A : i32
    %ne3A = arith.constant 0 : i32
    %ne3A_17 = arith.cmpi ne, %rem3A, %ne3A : i32
    %lt3A_18 = arith.constant 0 : i32
    %lt3A_19 = arith.cmpi slt, %rem3A, %lt3A_18 : i32
    %lt3A_20 = arith.constant 0 : i32
    %lt3A_21 = arith.cmpi slt, %select_n3A, %lt3A_20 : i32
    %ne3A_22 = arith.xori %lt3A_19, %lt3A_21 : i1
    %and3A = arith.andi %ne3A_22, %ne3A_17 : i1
    %add3A_23 = arith.addi %rem3A, %select_n3A : i32
    %select_n3A_24 = arith.select %and3A, %add3A_23, %rem3A : i32
    %add3A_25 = arith.addi %mul3A_14, %select_n3A_24 : i32
    %mul3A_26 = arith.constant 288 : i32
    %mul3A_27 = arith.muli %add3A_25, %mul3A_26 : i32
    %broadcast_in_dim3A = vector.broadcast %mul3A_27 : i32 to vector<16xi32>
    %get3A = arith.constant 0 : i32
    %get3A_28 = arith.index_cast %get3A : i32 to index
    %get3A_29 = arith.constant 0 : index
    %get3A_30 = tpu.vector_load %arg6[%get3A_28, %get3A_29] {strides = array<i32>} : memref<4x128xi32, #tpu.memory_space<vmem>>, vector<1x16xi32>,
    %get3A_31 = vector.shape_cast %get3A_30 : vector<1x16xi32> to vector<16xi32>
    %add3A_32 = arith.addi %get3A_31, %broadcast_in_dim3A : vector<16xi32>
    %swap3A = arith.constant 0 : i32
    %swap3A_33 = arith.index_cast %swap3A : i32 to index
    %swap3A_34 = arith.constant 0 : index
    %swap3A_35 = tpu.vector_load %arg6[%swap3A_33, %swap3A_34] {strides = array<i32>} : memref<4x128xi32, #tpu.memory_space<vmem>>, vector<1x16xi32>,
    %swap3A_36 = vector.shape_cast %swap3A_35 : vector<1x16xi32> to vector<16xi32>
    %swap3A_37 = vector.shape_cast %add3A_32 : vector<16xi32> to vector<1x16xi32>
    tpu.vector_store %arg6[%swap3A_33, %swap3A_34], %swap3A_37 {strides = array<i32>} : memref<4x128xi32, #tpu.memory_space<vmem>>, vector<1x16xi32>,
    %get3A_38 = arith.constant 0 : i32
    %get3A_39 = arith.index_cast %get3A_38 : i32 to index
    %get3A_40 = arith.constant 16 : index
    %get3A_41 = tpu.vector_load %arg6[%get3A_39, %get3A_40] {strides = array<i32>} : memref<4x128xi32, #tpu.memory_space<vmem>>, vector<1x16xi32>,
    %get3A_42 = vector.shape_cast %get3A_41 : vector<1x16xi32> to vector<16xi32>
    %add3A_43 = arith.addi %get3A_42, %broadcast_in_dim3A : vector<16xi32>
    %swap3A_44 = arith.constant 0 : i32
    %swap3A_45 = arith.index_cast %swap3A_44 : i32 to index
    %swap3A_46 = arith.constant 16 : index
    %swap3A_47 = tpu.vector_load %arg6[%swap3A_45, %swap3A_46] {strides = array<i32>} : memref<4x128xi32, #tpu.memory_space<vmem>>, vector<1x16xi32>,
    %swap3A_48 = vector.shape_cast %swap3A_47 : vector<1x16xi32> to vector<16xi32>
    %swap3A_49 = vector.shape_cast %add3A_43 : vector<16xi32> to vector<1x16xi32>
    tpu.vector_store %arg6[%swap3A_45, %swap3A_46], %swap3A_49 {strides = array<i32>} : memref<4x128xi32, #tpu.memory_space<vmem>>, vector<1x16xi32>,
    %get3A_50 = arith.constant 0 : i32
    %get3A_51 = arith.index_cast %get3A_50 : i32 to index
    %get3A_52 = arith.constant 32 : index
    %get3A_53 = tpu.vector_load %arg6[%get3A_51, %get3A_52] {strides = array<i32>} : memref<4x128xi32, #tpu.memory_space<vmem>>, vector<1x16xi32>,
    %get3A_54 = vector.shape_cast %get3A_53 : vector<1x16xi32> to vector<16xi32>
    %add3A_55 = arith.addi %get3A_54, %broadcast_in_dim3A : vector<16xi32>
    %swap3A_56 = arith.constant 0 : i32
    %swap3A_57 = arith.index_cast %swap3A_56 : i32 to index
    %swap3A_58 = arith.constant 32 : index
    %swap3A_59 = tpu.vector_load %arg6[%swap3A_57, %swap3A_58] {strides = array<i32>} : memref<4x128xi32, #tpu.memory_space<vmem>>, vector<1x16xi32>,
    %swap3A_60 = vector.shape_cast %swap3A_59 : vector<1x16xi32> to vector<16xi32>
    %swap3A_61 = vector.shape_cast %add3A_55 : vector<16xi32> to vector<1x16xi32>
    tpu.vector_store %arg6[%swap3A_57, %swap3A_58], %swap3A_61 {strides = array<i32>} : memref<4x128xi32, #tpu.memory_space<vmem>>, vector<1x16xi32>,
    %get3A_62 = arith.constant 0 : i32
    %get3A_63 = arith.index_cast %get3A_62 : i32 to index
    %get3A_64 = arith.constant 48 : index
    %get3A_65 = tpu.vector_load %arg6[%get3A_63, %get3A_64] {strides = array<i32>} : memref<4x128xi32, #tpu.memory_space<vmem>>, vector<1x16xi32>,
    %get3A_66 = vector.shape_cast %get3A_65 : vector<1x16xi32> to vector<16xi32>
    %add3A_67 = arith.addi %get3A_66, %broadcast_in_dim3A : vector<16xi32>
    %swap3A_68 = arith.constant 0 : i32
    %swap3A_69 = arith.index_cast %swap3A_68 : i32 to index
    %swap3A_70 = arith.constant 48 : index
    %swap3A_71 = tpu.vector_load %arg6[%swap3A_69, %swap3A_70] {strides = array<i32>} : memref<4x128xi32, #tpu.memory_space<vmem>>, vector<1x16xi32>,
    %swap3A_72 = vector.shape_cast %swap3A_71 : vector<1x16xi32> to vector<16xi32>
    %swap3A_73 = vector.shape_cast %add3A_67 : vector<16xi32> to vector<1x16xi32>
    tpu.vector_store %arg6[%swap3A_69, %swap3A_70], %swap3A_73 {strides = array<i32>} : memref<4x128xi32, #tpu.memory_space<vmem>>, vector<1x16xi32>,
    %get3A_74 = arith.constant 0 : i32
    %get3A_75 = arith.index_cast %get3A_74 : i32 to index
    %get3A_76 = arith.constant 64 : index
    %get3A_77 = tpu.vector_load %arg6[%get3A_75, %get3A_76] {strides = array<i32>} : memref<4x128xi32, #tpu.memory_space<vmem>>, vector<1x16xi32>,
    %get3A_78 = vector.shape_cast %get3A_77 : vector<1x16xi32> to vector<16xi32>
    %add3A_79 = arith.addi %get3A_78, %broadcast_in_dim3A : vector<16xi32>
    %swap3A_80 = arith.constant 0 : i32
    %swap3A_81 = arith.index_cast %swap3A_80 : i32 to index
    %swap3A_82 = arith.constant 64 : index
    %swap3A_83 = tpu.vector_load %arg6[%swap3A_81, %swap3A_82] {strides = array<i32>} : memref<4x128xi32, #tpu.memory_space<vmem>>, vector<1x16xi32>,
    %swap3A_84 = vector.shape_cast %swap3A_83 : vector<1x16xi32> to vector<16xi32>
    %swap3A_85 = vector.shape_cast %add3A_79 : vector<16xi32> to vector<1x16xi32>
    tpu.vector_store %arg6[%swap3A_81, %swap3A_82], %swap3A_85 {strides = array<i32>} : memref<4x128xi32, #tpu.memory_space<vmem>>, vector<1x16xi32>,
    %get3A_86 = arith.constant 0 : i32
    %get3A_87 = arith.index_cast %get3A_86 : i32 to index
    %get3A_88 = arith.constant 80 : index
    %get3A_89 = tpu.vector_load %arg6[%get3A_87, %get3A_88] {strides = array<i32>} : memref<4x128xi32, #tpu.memory_space<vmem>>, vector<1x16xi32>,
    %get3A_90 = vector.shape_cast %get3A_89 : vector<1x16xi32> to vector<16xi32>
    %add3A_91 = arith.addi %get3A_90, %broadcast_in_dim3A : vector<16xi32>
    %swap3A_92 = arith.constant 0 : i32
    %swap3A_93 = arith.index_cast %swap3A_92 : i32 to index
    %swap3A_94 = arith.constant 80 : index
    %swap3A_95 = tpu.vector_load %arg6[%swap3A_93, %swap3A_94] {strides = array<i32>} : memref<4x128xi32, #tpu.memory_space<vmem>>, vector<1x16xi32>,
    %swap3A_96 = vector.shape_cast %swap3A_95 : vector<1x16xi32> to vector<16xi32>
    %swap3A_97 = vector.shape_cast %add3A_91 : vector<16xi32> to vector<1x16xi32>
    tpu.vector_store %arg6[%swap3A_93, %swap3A_94], %swap3A_97 {strides = array<i32>} : memref<4x128xi32, #tpu.memory_space<vmem>>, vector<1x16xi32>,
    %get3A_98 = arith.constant 0 : i32
    %get3A_99 = arith.index_cast %get3A_98 : i32 to index
    %get3A_100 = arith.constant 96 : index
    %get3A_101 = tpu.vector_load %arg6[%get3A_99, %get3A_100] {strides = array<i32>} : memref<4x128xi32, #tpu.memory_space<vmem>>, vector<1x16xi32>,
    %get3A_102 = vector.shape_cast %get3A_101 : vector<1x16xi32> to vector<16xi32>
    %add3A_103 = arith.addi %get3A_102, %broadcast_in_dim3A : vector<16xi32>
    %swap3A_104 = arith.constant 0 : i32
    %swap3A_105 = arith.index_cast %swap3A_104 : i32 to index
    %swap3A_106 = arith.constant 96 : index
    %swap3A_107 = tpu.vector_load %arg6[%swap3A_105, %swap3A_106] {strides = array<i32>} : memref<4x128xi32, #tpu.memory_space<vmem>>, vector<1x16xi32>,
    %swap3A_108 = vector.shape_cast %swap3A_107 : vector<1x16xi32> to vector<16xi32>
    %swap3A_109 = vector.shape_cast %add3A_103 : vector<16xi32> to vector<1x16xi32>
    tpu.vector_store %arg6[%swap3A_105, %swap3A_106], %swap3A_109 {strides = array<i32>} : memref<4x128xi32, #tpu.memory_space<vmem>>, vector<1x16xi32>,
    %get3A_110 = arith.constant 0 : i32
    %get3A_111 = arith.index_cast %get3A_110 : i32 to index
    %get3A_112 = arith.constant 112 : index
    %get3A_113 = tpu.vector_load %arg6[%get3A_111, %get3A_112] {strides = array<i32>} : memref<4x128xi32, #tpu.memory_space<vmem>>, vector<1x16xi32>,
    %get3A_114 = vector.shape_cast %get3A_113 : vector<1x16xi32> to vector<16xi32>
    %add3A_115 = arith.addi %get3A_114, %broadcast_in_dim3A : vector<16xi32>
    %swap3A_116 = arith.constant 0 : i32
    %swap3A_117 = arith.index_cast %swap3A_116 : i32 to index
    %swap3A_118 = arith.constant 112 : index
    %swap3A_119 = tpu.vector_load %arg6[%swap3A_117, %swap3A_118] {strides = array<i32>} : memref<4x128xi32, #tpu.memory_space<vmem>>, vector<1x16xi32>,
    %swap3A_120 = vector.shape_cast %swap3A_119 : vector<1x16xi32> to vector<16xi32>
    %swap3A_121 = vector.shape_cast %add3A_115 : vector<16xi32> to vector<1x16xi32>
    tpu.vector_store %arg6[%swap3A_117, %swap3A_118], %swap3A_121 {strides = array<i32>} : memref<4x128xi32, #tpu.memory_space<vmem>>, vector<1x16xi32>,
    %get3A_122 = arith.constant 1 : i32
    %get3A_123 = arith.index_cast %get3A_122 : i32 to index
    %get3A_124 = arith.constant 0 : index
    %get3A_125 = tpu.vector_load %arg6[%get3A_123, %get3A_124] {strides = array<i32>} : memref<4x128xi32, #tpu.memory_space<vmem>>, vector<1x16xi32>,
    %get3A_126 = vector.shape_cast %get3A_125 : vector<1x16xi32> to vector<16xi32>
    %add3A_127 = arith.addi %get3A_126, %broadcast_in_dim3A : vector<16xi32>
    %swap3A_128 = arith.constant 1 : i32
    %swap3A_129 = arith.index_cast %swap3A_128 : i32 to index
    %swap3A_130 = arith.constant 0 : index
    %swap3A_131 = tpu.vector_load %arg6[%swap3A_129, %swap3A_130] {strides = array<i32>} : memref<4x128xi32, #tpu.memory_space<vmem>>, vector<1x16xi32>,
    %swap3A_132 = vector.shape_cast %swap3A_131 : vector<1x16xi32> to vector<16xi32>
    %swap3A_133 = vector.shape_cast %add3A_127 : vector<16xi32> to vector<1x16xi32>
    tpu.vector_store %arg6[%swap3A_129, %swap3A_130], %swap3A_133 {strides = array<i32>} : memref<4x128xi32, #tpu.memory_space<vmem>>, vector<1x16xi32>,
    %get3A_134 = arith.constant 1 : i32
    %get3A_135 = arith.index_cast %get3A_134 : i32 to index
    %get3A_136 = arith.constant 16 : index
    %get3A_137 = tpu.vector_load %arg6[%get3A_135, %get3A_136] {strides = array<i32>} : memref<4x128xi32, #tpu.memory_space<vmem>>, vector<1x16xi32>,
    %get3A_138 = vector.shape_cast %get3A_137 : vector<1x16xi32> to vector<16xi32>
    %add3A_139 = arith.addi %get3A_138, %broadcast_in_dim3A : vector<16xi32>
    %swap3A_140 = arith.constant 1 : i32
    %swap3A_141 = arith.index_cast %swap3A_140 : i32 to index
    %swap3A_142 = arith.constant 16 : index
    %swap3A_143 = tpu.vector_load %arg6[%swap3A_141, %swap3A_142] {strides = array<i32>} : memref<4x128xi32, #tpu.memory_space<vmem>>, vector<1x16xi32>,
    %swap3A_144 = vector.shape_cast %swap3A_143 : vector<1x16xi32> to vector<16xi32>
    %swap3A_145 = vector.shape_cast %add3A_139 : vector<16xi32> to vector<1x16xi32>
    tpu.vector_store %arg6[%swap3A_141, %swap3A_142], %swap3A_145 {strides = array<i32>} : memref<4x128xi32, #tpu.memory_space<vmem>>, vector<1x16xi32>,
    %get3A_146 = arith.constant 1 : i32
    %get3A_147 = arith.index_cast %get3A_146 : i32 to index
    %get3A_148 = arith.constant 32 : index
    %get3A_149 = tpu.vector_load %arg6[%get3A_147, %get3A_148] {strides = array<i32>} : memref<4x128xi32, #tpu.memory_space<vmem>>, vector<1x16xi32>,
    %get3A_150 = vector.shape_cast %get3A_149 : vector<1x16xi32> to vector<16xi32>
    %add3A_151 = arith.addi %get3A_150, %broadcast_in_dim3A : vector<16xi32>
    %swap3A_152 = arith.constant 1 : i32
    %swap3A_153 = arith.index_cast %swap3A_152 : i32 to index
    %swap3A_154 = arith.constant 32 : index
    %swap3A_155 = tpu.vector_load %arg6[%swap3A_153, %swap3A_154] {strides = array<i32>} : memref<4x128xi32, #tpu.memory_space<vmem>>, vector<1x16xi32>,
    %swap3A_156 = vector.shape_cast %swap3A_155 : vector<1x16xi32> to vector<16xi32>
    %swap3A_157 = vector.shape_cast %add3A_151 : vector<16xi32> to vector<1x16xi32>
    tpu.vector_store %arg6[%swap3A_153, %swap3A_154], %swap3A_157 {strides = array<i32>} : memref<4x128xi32, #tpu.memory_space<vmem>>, vector<1x16xi32>,
    %get3A_158 = arith.constant 1 : i32
    %get3A_159 = arith.index_cast %get3A_158 : i32 to index
    %get3A_160 = arith.constant 48 : index
    %get3A_161 = tpu.vector_load %arg6[%get3A_159, %get3A_160] {strides = array<i32>} : memref<4x128xi32, #tpu.memory_space<vmem>>, vector<1x16xi32>,
    %get3A_162 = vector.shape_cast %get3A_161 : vector<1x16xi32> to vector<16xi32>
    %add3A_163 = arith.addi %get3A_162, %broadcast_in_dim3A : vector<16xi32>
    %swap3A_164 = arith.constant 1 : i32
    %swap3A_165 = arith.index_cast %swap3A_164 : i32 to index
    %swap3A_166 = arith.constant 48 : index
    %swap3A_167 = tpu.vector_load %arg6[%swap3A_165, %swap3A_166] {strides = array<i32>} : memref<4x128xi32, #tpu.memory_space<vmem>>, vector<1x16xi32>,
    %swap3A_168 = vector.shape_cast %swap3A_167 : vector<1x16xi32> to vector<16xi32>
    %swap3A_169 = vector.shape_cast %add3A_163 : vector<16xi32> to vector<1x16xi32>
    tpu.vector_store %arg6[%swap3A_165, %swap3A_166], %swap3A_169 {strides = array<i32>} : memref<4x128xi32, #tpu.memory_space<vmem>>, vector<1x16xi32>,
    %get3A_170 = arith.constant 1 : i32
    %get3A_171 = arith.index_cast %get3A_170 : i32 to index
    %get3A_172 = arith.constant 64 : index
    %get3A_173 = tpu.vector_load %arg6[%get3A_171, %get3A_172] {strides = array<i32>} : memref<4x128xi32, #tpu.memory_space<vmem>>, vector<1x16xi32>,
    %get3A_174 = vector.shape_cast %get3A_173 : vector<1x16xi32> to vector<16xi32>
    %add3A_175 = arith.addi %get3A_174, %broadcast_in_dim3A : vector<16xi32>
    %swap3A_176 = arith.constant 1 : i32
    %swap3A_177 = arith.index_cast %swap3A_176 : i32 to index
    %swap3A_178 = arith.constant 64 : index
    %swap3A_179 = tpu.vector_load %arg6[%swap3A_177, %swap3A_178] {strides = array<i32>} : memref<4x128xi32, #tpu.memory_space<vmem>>, vector<1x16xi32>,
    %swap3A_180 = vector.shape_cast %swap3A_179 : vector<1x16xi32> to vector<16xi32>
    %swap3A_181 = vector.shape_cast %add3A_175 : vector<16xi32> to vector<1x16xi32>
    tpu.vector_store %arg6[%swap3A_177, %swap3A_178], %swap3A_181 {strides = array<i32>} : memref<4x128xi32, #tpu.memory_space<vmem>>, vector<1x16xi32>,
    %get3A_182 = arith.constant 1 : i32
    %get3A_183 = arith.index_cast %get3A_182 : i32 to index
    %get3A_184 = arith.constant 80 : index
    %get3A_185 = tpu.vector_load %arg6[%get3A_183, %get3A_184] {strides = array<i32>} : memref<4x128xi32, #tpu.memory_space<vmem>>, vector<1x16xi32>,
    %get3A_186 = vector.shape_cast %get3A_185 : vector<1x16xi32> to vector<16xi32>
    %add3A_187 = arith.addi %get3A_186, %broadcast_in_dim3A : vector<16xi32>
    %swap3A_188 = arith.constant 1 : i32
    %swap3A_189 = arith.index_cast %swap3A_188 : i32 to index
    %swap3A_190 = arith.constant 80 : index
    %swap3A_191 = tpu.vector_load %arg6[%swap3A_189, %swap3A_190] {strides = array<i32>} : memref<4x128xi32, #tpu.memory_space<vmem>>, vector<1x16xi32>,
    %swap3A_192 = vector.shape_cast %swap3A_191 : vector<1x16xi32> to vector<16xi32>
    %swap3A_193 = vector.shape_cast %add3A_187 : vector<16xi32> to vector<1x16xi32>
    tpu.vector_store %arg6[%swap3A_189, %swap3A_190], %swap3A_193 {strides = array<i32>} : memref<4x128xi32, #tpu.memory_space<vmem>>, vector<1x16xi32>,
    %get3A_194 = arith.constant 1 : i32
    %get3A_195 = arith.index_cast %get3A_194 : i32 to index
    %get3A_196 = arith.constant 96 : index
    %get3A_197 = tpu.vector_load %arg6[%get3A_195, %get3A_196] {strides = array<i32>} : memref<4x128xi32, #tpu.memory_space<vmem>>, vector<1x16xi32>,
    %get3A_198 = vector.shape_cast %get3A_197 : vector<1x16xi32> to vector<16xi32>
    %add3A_199 = arith.addi %get3A_198, %broadcast_in_dim3A : vector<16xi32>
    %swap3A_200 = arith.constant 1 : i32
    %swap3A_201 = arith.index_cast %swap3A_200 : i32 to index
    %swap3A_202 = arith.constant 96 : index
    %swap3A_203 = tpu.vector_load %arg6[%swap3A_201, %swap3A_202] {strides = array<i32>} : memref<4x128xi32, #tpu.memory_space<vmem>>, vector<1x16xi32>,
    %swap3A_204 = vector.shape_cast %swap3A_203 : vector<1x16xi32> to vector<16xi32>
    %swap3A_205 = vector.shape_cast %add3A_199 : vector<16xi32> to vector<1x16xi32>
    tpu.vector_store %arg6[%swap3A_201, %swap3A_202], %swap3A_205 {strides = array<i32>} : memref<4x128xi32, #tpu.memory_space<vmem>>, vector<1x16xi32>,
    %get3A_206 = arith.constant 1 : i32
    %get3A_207 = arith.index_cast %get3A_206 : i32 to index
    %get3A_208 = arith.constant 112 : index
    %get3A_209 = tpu.vector_load %arg6[%get3A_207, %get3A_208] {strides = array<i32>} : memref<4x128xi32, #tpu.memory_space<vmem>>, vector<1x16xi32>,
    %get3A_210 = vector.shape_cast %get3A_209 : vector<1x16xi32> to vector<16xi32>
    %add3A_211 = arith.addi %get3A_210, %broadcast_in_dim3A : vector<16xi32>
    %swap3A_212 = arith.constant 1 : i32
    %swap3A_213 = arith.index_cast %swap3A_212 : i32 to index
    %swap3A_214 = arith.constant 112 : index
    %swap3A_215 = tpu.vector_load %arg6[%swap3A_213, %swap3A_214] {strides = array<i32>} : memref<4x128xi32, #tpu.memory_space<vmem>>, vector<1x16xi32>,
    %swap3A_216 = vector.shape_cast %swap3A_215 : vector<1x16xi32> to vector<16xi32>
    %swap3A_217 = vector.shape_cast %add3A_211 : vector<16xi32> to vector<1x16xi32>
    tpu.vector_store %arg6[%swap3A_213, %swap3A_214], %swap3A_217 {strides = array<i32>} : memref<4x128xi32, #tpu.memory_space<vmem>>, vector<1x16xi32>,
    %get3A_218 = arith.constant 2 : i32
    %get3A_219 = arith.index_cast %get3A_218 : i32 to index
    %get3A_220 = arith.constant 0 : index
    %get3A_221 = tpu.vector_load %arg6[%get3A_219, %get3A_220] {strides = array<i32>} : memref<4x128xi32, #tpu.memory_space<vmem>>, vector<1x16xi32>,
    %get3A_222 = vector.shape_cast %get3A_221 : vector<1x16xi32> to vector<16xi32>
    %add3A_223 = arith.addi %get3A_222, %broadcast_in_dim3A : vector<16xi32>
    %swap3A_224 = arith.constant 2 : i32
    %swap3A_225 = arith.index_cast %swap3A_224 : i32 to index
    %swap3A_226 = arith.constant 0 : index
    %swap3A_227 = tpu.vector_load %arg6[%swap3A_225, %swap3A_226] {strides = array<i32>} : memref<4x128xi32, #tpu.memory_space<vmem>>, vector<1x16xi32>,
    %swap3A_228 = vector.shape_cast %swap3A_227 : vector<1x16xi32> to vector<16xi32>
    %swap3A_229 = vector.shape_cast %add3A_223 : vector<16xi32> to vector<1x16xi32>
    tpu.vector_store %arg6[%swap3A_225, %swap3A_226], %swap3A_229 {strides = array<i32>} : memref<4x128xi32, #tpu.memory_space<vmem>>, vector<1x16xi32>,
    %get3A_230 = arith.constant 2 : i32
    %get3A_231 = arith.index_cast %get3A_230 : i32 to index
    %get3A_232 = arith.constant 16 : index
    %get3A_233 = tpu.vector_load %arg6[%get3A_231, %get3A_232] {strides = array<i32>} : memref<4x128xi32, #tpu.memory_space<vmem>>, vector<1x16xi32>,
    %get3A_234 = vector.shape_cast %get3A_233 : vector<1x16xi32> to vector<16xi32>
    %add3A_235 = arith.addi %get3A_234, %broadcast_in_dim3A : vector<16xi32>
    %swap3A_236 = arith.constant 2 : i32
    %swap3A_237 = arith.index_cast %swap3A_236 : i32 to index
    %swap3A_238 = arith.constant 16 : index
    %swap3A_239 = tpu.vector_load %arg6[%swap3A_237, %swap3A_238] {strides = array<i32>} : memref<4x128xi32, #tpu.memory_space<vmem>>, vector<1x16xi32>,
    %swap3A_240 = vector.shape_cast %swap3A_239 : vector<1x16xi32> to vector<16xi32>
    %swap3A_241 = vector.shape_cast %add3A_235 : vector<16xi32> to vector<1x16xi32>
    tpu.vector_store %arg6[%swap3A_237, %swap3A_238], %swap3A_241 {strides = array<i32>} : memref<4x128xi32, #tpu.memory_space<vmem>>, vector<1x16xi32>,
    %get3A_242 = arith.constant 2 : i32
    %get3A_243 = arith.index_cast %get3A_242 : i32 to index
    %get3A_244 = arith.constant 32 : index
    %get3A_245 = tpu.vector_load %arg6[%get3A_243, %get3A_244] {strides = array<i32>} : memref<4x128xi32, #tpu.memory_space<vmem>>, vector<1x16xi32>,
    %get3A_246 = vector.shape_cast %get3A_245 : vector<1x16xi32> to vector<16xi32>
    %add3A_247 = arith.addi %get3A_246, %broadcast_in_dim3A : vector<16xi32>
    %swap3A_248 = arith.constant 2 : i32
    %swap3A_249 = arith.index_cast %swap3A_248 : i32 to index
    %swap3A_250 = arith.constant 32 : index
    %swap3A_251 = tpu.vector_load %arg6[%swap3A_249, %swap3A_250] {strides = array<i32>} : memref<4x128xi32, #tpu.memory_space<vmem>>, vector<1x16xi32>,
    %swap3A_252 = vector.shape_cast %swap3A_251 : vector<1x16xi32> to vector<16xi32>
    %swap3A_253 = vector.shape_cast %add3A_247 : vector<16xi32> to vector<1x16xi32>
    tpu.vector_store %arg6[%swap3A_249, %swap3A_250], %swap3A_253 {strides = array<i32>} : memref<4x128xi32, #tpu.memory_space<vmem>>, vector<1x16xi32>,
    %get3A_254 = arith.constant 2 : i32
    %get3A_255 = arith.index_cast %get3A_254 : i32 to index
    %get3A_256 = arith.constant 48 : index
    %get3A_257 = tpu.vector_load %arg6[%get3A_255, %get3A_256] {strides = array<i32>} : memref<4x128xi32, #tpu.memory_space<vmem>>, vector<1x16xi32>,
    %get3A_258 = vector.shape_cast %get3A_257 : vector<1x16xi32> to vector<16xi32>
    %add3A_259 = arith.addi %get3A_258, %broadcast_in_dim3A : vector<16xi32>
    %swap3A_260 = arith.constant 2 : i32
    %swap3A_261 = arith.index_cast %swap3A_260 : i32 to index
    %swap3A_262 = arith.constant 48 : index
    %swap3A_263 = tpu.vector_load %arg6[%swap3A_261, %swap3A_262] {strides = array<i32>} : memref<4x128xi32, #tpu.memory_space<vmem>>, vector<1x16xi32>,
    %swap3A_264 = vector.shape_cast %swap3A_263 : vector<1x16xi32> to vector<16xi32>
    %swap3A_265 = vector.shape_cast %add3A_259 : vector<16xi32> to vector<1x16xi32>
    tpu.vector_store %arg6[%swap3A_261, %swap3A_262], %swap3A_265 {strides = array<i32>} : memref<4x128xi32, #tpu.memory_space<vmem>>, vector<1x16xi32>,
    %get3A_266 = arith.constant 2 : i32
    %get3A_267 = arith.index_cast %get3A_266 : i32 to index
    %get3A_268 = arith.constant 64 : index
    %get3A_269 = tpu.vector_load %arg6[%get3A_267, %get3A_268] {strides = array<i32>} : memref<4x128xi32, #tpu.memory_space<vmem>>, vector<1x16xi32>,
    %get3A_270 = vector.shape_cast %get3A_269 : vector<1x16xi32> to vector<16xi32>
    %add3A_271 = arith.addi %get3A_270, %broadcast_in_dim3A : vector<16xi32>
    %swap3A_272 = arith.constant 2 : i32
    %swap3A_273 = arith.index_cast %swap3A_272 : i32 to index
    %swap3A_274 = arith.constant 64 : index
    %swap3A_275 = tpu.vector_load %arg6[%swap3A_273, %swap3A_274] {strides = array<i32>} : memref<4x128xi32, #tpu.memory_space<vmem>>, vector<1x16xi32>,
    %swap3A_276 = vector.shape_cast %swap3A_275 : vector<1x16xi32> to vector<16xi32>
    %swap3A_277 = vector.shape_cast %add3A_271 : vector<16xi32> to vector<1x16xi32>
    tpu.vector_store %arg6[%swap3A_273, %swap3A_274], %swap3A_277 {strides = array<i32>} : memref<4x128xi32, #tpu.memory_space<vmem>>, vector<1x16xi32>,
    %get3A_278 = arith.constant 2 : i32
    %get3A_279 = arith.index_cast %get3A_278 : i32 to index
    %get3A_280 = arith.constant 80 : index
    %get3A_281 = tpu.vector_load %arg6[%get3A_279, %get3A_280] {strides = array<i32>} : memref<4x128xi32, #tpu.memory_space<vmem>>, vector<1x16xi32>,
    %get3A_282 = vector.shape_cast %get3A_281 : vector<1x16xi32> to vector<16xi32>
    %add3A_283 = arith.addi %get3A_282, %broadcast_in_dim3A : vector<16xi32>
    %swap3A_284 = arith.constant 2 : i32
    %swap3A_285 = arith.index_cast %swap3A_284 : i32 to index
    %swap3A_286 = arith.constant 80 : index
    %swap3A_287 = tpu.vector_load %arg6[%swap3A_285, %swap3A_286] {strides = array<i32>} : memref<4x128xi32, #tpu.memory_space<vmem>>, vector<1x16xi32>,
    %swap3A_288 = vector.shape_cast %swap3A_287 : vector<1x16xi32> to vector<16xi32>
    %swap3A_289 = vector.shape_cast %add3A_283 : vector<16xi32> to vector<1x16xi32>
    tpu.vector_store %arg6[%swap3A_285, %swap3A_286], %swap3A_289 {strides = array<i32>} : memref<4x128xi32, #tpu.memory_space<vmem>>, vector<1x16xi32>,
    %get3A_290 = arith.constant 2 : i32
    %get3A_291 = arith.index_cast %get3A_290 : i32 to index
    %get3A_292 = arith.constant 96 : index
    %get3A_293 = tpu.vector_load %arg6[%get3A_291, %get3A_292] {strides = array<i32>} : memref<4x128xi32, #tpu.memory_space<vmem>>, vector<1x16xi32>,
    %get3A_294 = vector.shape_cast %get3A_293 : vector<1x16xi32> to vector<16xi32>
    %add3A_295 = arith.addi %get3A_294, %broadcast_in_dim3A : vector<16xi32>
    %swap3A_296 = arith.constant 2 : i32
    %swap3A_297 = arith.index_cast %swap3A_296 : i32 to index
    %swap3A_298 = arith.constant 96 : index
    %swap3A_299 = tpu.vector_load %arg6[%swap3A_297, %swap3A_298] {strides = array<i32>} : memref<4x128xi32, #tpu.memory_space<vmem>>, vector<1x16xi32>,
    %swap3A_300 = vector.shape_cast %swap3A_299 : vector<1x16xi32> to vector<16xi32>
    %swap3A_301 = vector.shape_cast %add3A_295 : vector<16xi32> to vector<1x16xi32>
    tpu.vector_store %arg6[%swap3A_297, %swap3A_298], %swap3A_301 {strides = array<i32>} : memref<4x128xi32, #tpu.memory_space<vmem>>, vector<1x16xi32>,
    %get3A_302 = arith.constant 2 : i32
    %get3A_303 = arith.index_cast %get3A_302 : i32 to index
    %get3A_304 = arith.constant 112 : index
    %get3A_305 = tpu.vector_load %arg6[%get3A_303, %get3A_304] {strides = array<i32>} : memref<4x128xi32, #tpu.memory_space<vmem>>, vector<1x16xi32>,
    %get3A_306 = vector.shape_cast %get3A_305 : vector<1x16xi32> to vector<16xi32>
    %add3A_307 = arith.addi %get3A_306, %broadcast_in_dim3A : vector<16xi32>
    %swap3A_308 = arith.constant 2 : i32
    %swap3A_309 = arith.index_cast %swap3A_308 : i32 to index
    %swap3A_310 = arith.constant 112 : index
    %swap3A_311 = tpu.vector_load %arg6[%swap3A_309, %swap3A_310] {strides = array<i32>} : memref<4x128xi32, #tpu.memory_space<vmem>>, vector<1x16xi32>,
    %swap3A_312 = vector.shape_cast %swap3A_311 : vector<1x16xi32> to vector<16xi32>
    %swap3A_313 = vector.shape_cast %add3A_307 : vector<16xi32> to vector<1x16xi32>
    tpu.vector_store %arg6[%swap3A_309, %swap3A_310], %swap3A_313 {strides = array<i32>} : memref<4x128xi32, #tpu.memory_space<vmem>>, vector<1x16xi32>,
    %get3A_314 = arith.constant 3 : i32
    %get3A_315 = arith.index_cast %get3A_314 : i32 to index
    %get3A_316 = arith.constant 0 : index
    %get3A_317 = tpu.vector_load %arg6[%get3A_315, %get3A_316] {strides = array<i32>} : memref<4x128xi32, #tpu.memory_space<vmem>>, vector<1x16xi32>,
    %get3A_318 = vector.shape_cast %get3A_317 : vector<1x16xi32> to vector<16xi32>
    %add3A_319 = arith.addi %get3A_318, %broadcast_in_dim3A : vector<16xi32>
    %swap3A_320 = arith.constant 3 : i32
    %swap3A_321 = arith.index_cast %swap3A_320 : i32 to index
    %swap3A_322 = arith.constant 0 : index
    %swap3A_323 = tpu.vector_load %arg6[%swap3A_321, %swap3A_322] {strides = array<i32>} : memref<4x128xi32, #tpu.memory_space<vmem>>, vector<1x16xi32>,
    %swap3A_324 = vector.shape_cast %swap3A_323 : vector<1x16xi32> to vector<16xi32>
    %swap3A_325 = vector.shape_cast %add3A_319 : vector<16xi32> to vector<1x16xi32>
    tpu.vector_store %arg6[%swap3A_321, %swap3A_322], %swap3A_325 {strides = array<i32>} : memref<4x128xi32, #tpu.memory_space<vmem>>, vector<1x16xi32>,
    %get3A_326 = arith.constant 3 : i32
    %get3A_327 = arith.index_cast %get3A_326 : i32 to index
    %get3A_328 = arith.constant 16 : index
    %get3A_329 = tpu.vector_load %arg6[%get3A_327, %get3A_328] {strides = array<i32>} : memref<4x128xi32, #tpu.memory_space<vmem>>, vector<1x16xi32>,
    %get3A_330 = vector.shape_cast %get3A_329 : vector<1x16xi32> to vector<16xi32>
    %add3A_331 = arith.addi %get3A_330, %broadcast_in_dim3A : vector<16xi32>
    %swap3A_332 = arith.constant 3 : i32
    %swap3A_333 = arith.index_cast %swap3A_332 : i32 to index
    %swap3A_334 = arith.constant 16 : index
    %swap3A_335 = tpu.vector_load %arg6[%swap3A_333, %swap3A_334] {strides = array<i32>} : memref<4x128xi32, #tpu.memory_space<vmem>>, vector<1x16xi32>,
    %swap3A_336 = vector.shape_cast %swap3A_335 : vector<1x16xi32> to vector<16xi32>
    %swap3A_337 = vector.shape_cast %add3A_331 : vector<16xi32> to vector<1x16xi32>
    tpu.vector_store %arg6[%swap3A_333, %swap3A_334], %swap3A_337 {strides = array<i32>} : memref<4x128xi32, #tpu.memory_space<vmem>>, vector<1x16xi32>,
    %get3A_338 = arith.constant 3 : i32
    %get3A_339 = arith.index_cast %get3A_338 : i32 to index
    %get3A_340 = arith.constant 32 : index
    %get3A_341 = tpu.vector_load %arg6[%get3A_339, %get3A_340] {strides = array<i32>} : memref<4x128xi32, #tpu.memory_space<vmem>>, vector<1x16xi32>,
    %get3A_342 = vector.shape_cast %get3A_341 : vector<1x16xi32> to vector<16xi32>
    %add3A_343 = arith.addi %get3A_342, %broadcast_in_dim3A : vector<16xi32>
    %swap3A_344 = arith.constant 3 : i32
    %swap3A_345 = arith.index_cast %swap3A_344 : i32 to index
    %swap3A_346 = arith.constant 32 : index
    %swap3A_347 = tpu.vector_load %arg6[%swap3A_345, %swap3A_346] {strides = array<i32>} : memref<4x128xi32, #tpu.memory_space<vmem>>, vector<1x16xi32>,
    %swap3A_348 = vector.shape_cast %swap3A_347 : vector<1x16xi32> to vector<16xi32>
    %swap3A_349 = vector.shape_cast %add3A_343 : vector<16xi32> to vector<1x16xi32>
    tpu.vector_store %arg6[%swap3A_345, %swap3A_346], %swap3A_349 {strides = array<i32>} : memref<4x128xi32, #tpu.memory_space<vmem>>, vector<1x16xi32>,
    %get3A_350 = arith.constant 3 : i32
    %get3A_351 = arith.index_cast %get3A_350 : i32 to index
    %get3A_352 = arith.constant 48 : index
    %get3A_353 = tpu.vector_load %arg6[%get3A_351, %get3A_352] {strides = array<i32>} : memref<4x128xi32, #tpu.memory_space<vmem>>, vector<1x16xi32>,
    %get3A_354 = vector.shape_cast %get3A_353 : vector<1x16xi32> to vector<16xi32>
    %add3A_355 = arith.addi %get3A_354, %broadcast_in_dim3A : vector<16xi32>
    %swap3A_356 = arith.constant 3 : i32
    %swap3A_357 = arith.index_cast %swap3A_356 : i32 to index
    %swap3A_358 = arith.constant 48 : index
    %swap3A_359 = tpu.vector_load %arg6[%swap3A_357, %swap3A_358] {strides = array<i32>} : memref<4x128xi32, #tpu.memory_space<vmem>>, vector<1x16xi32>,
    %swap3A_360 = vector.shape_cast %swap3A_359 : vector<1x16xi32> to vector<16xi32>
    %swap3A_361 = vector.shape_cast %add3A_355 : vector<16xi32> to vector<1x16xi32>
    tpu.vector_store %arg6[%swap3A_357, %swap3A_358], %swap3A_361 {strides = array<i32>} : memref<4x128xi32, #tpu.memory_space<vmem>>, vector<1x16xi32>,
    %get3A_362 = arith.constant 3 : i32
    %get3A_363 = arith.index_cast %get3A_362 : i32 to index
    %get3A_364 = arith.constant 64 : index
    %get3A_365 = tpu.vector_load %arg6[%get3A_363, %get3A_364] {strides = array<i32>} : memref<4x128xi32, #tpu.memory_space<vmem>>, vector<1x16xi32>,
    %get3A_366 = vector.shape_cast %get3A_365 : vector<1x16xi32> to vector<16xi32>
    %add3A_367 = arith.addi %get3A_366, %broadcast_in_dim3A : vector<16xi32>
    %swap3A_368 = arith.constant 3 : i32
    %swap3A_369 = arith.index_cast %swap3A_368 : i32 to index
    %swap3A_370 = arith.constant 64 : index
    %swap3A_371 = tpu.vector_load %arg6[%swap3A_369, %swap3A_370] {strides = array<i32>} : memref<4x128xi32, #tpu.memory_space<vmem>>, vector<1x16xi32>,
    %swap3A_372 = vector.shape_cast %swap3A_371 : vector<1x16xi32> to vector<16xi32>
    %swap3A_373 = vector.shape_cast %add3A_367 : vector<16xi32> to vector<1x16xi32>
    tpu.vector_store %arg6[%swap3A_369, %swap3A_370], %swap3A_373 {strides = array<i32>} : memref<4x128xi32, #tpu.memory_space<vmem>>, vector<1x16xi32>,
    %get3A_374 = arith.constant 3 : i32
    %get3A_375 = arith.index_cast %get3A_374 : i32 to index
    %get3A_376 = arith.constant 80 : index
    %get3A_377 = tpu.vector_load %arg6[%get3A_375, %get3A_376] {strides = array<i32>} : memref<4x128xi32, #tpu.memory_space<vmem>>, vector<1x16xi32>,
    %get3A_378 = vector.shape_cast %get3A_377 : vector<1x16xi32> to vector<16xi32>
    %add3A_379 = arith.addi %get3A_378, %broadcast_in_dim3A : vector<16xi32>
    %swap3A_380 = arith.constant 3 : i32
    %swap3A_381 = arith.index_cast %swap3A_380 : i32 to index
    %swap3A_382 = arith.constant 80 : index
    %swap3A_383 = tpu.vector_load %arg6[%swap3A_381, %swap3A_382] {strides = array<i32>} : memref<4x128xi32, #tpu.memory_space<vmem>>, vector<1x16xi32>,
    %swap3A_384 = vector.shape_cast %swap3A_383 : vector<1x16xi32> to vector<16xi32>
    %swap3A_385 = vector.shape_cast %add3A_379 : vector<16xi32> to vector<1x16xi32>
    tpu.vector_store %arg6[%swap3A_381, %swap3A_382], %swap3A_385 {strides = array<i32>} : memref<4x128xi32, #tpu.memory_space<vmem>>, vector<1x16xi32>,
    %get3A_386 = arith.constant 3 : i32
    %get3A_387 = arith.index_cast %get3A_386 : i32 to index
    %get3A_388 = arith.constant 96 : index
    %get3A_389 = tpu.vector_load %arg6[%get3A_387, %get3A_388] {strides = array<i32>} : memref<4x128xi32, #tpu.memory_space<vmem>>, vector<1x16xi32>,
    %get3A_390 = vector.shape_cast %get3A_389 : vector<1x16xi32> to vector<16xi32>
    %add3A_391 = arith.addi %get3A_390, %broadcast_in_dim3A : vector<16xi32>
    %swap3A_392 = arith.constant 3 : i32
    %swap3A_393 = arith.index_cast %swap3A_392 : i32 to index
    %swap3A_394 = arith.constant 96 : index
    %swap3A_395 = tpu.vector_load %arg6[%swap3A_393, %swap3A_394] {strides = array<i32>} : memref<4x128xi32, #tpu.memory_space<vmem>>, vector<1x16xi32>,
    %swap3A_396 = vector.shape_cast %swap3A_395 : vector<1x16xi32> to vector<16xi32>
    %swap3A_397 = vector.shape_cast %add3A_391 : vector<16xi32> to vector<1x16xi32>
    tpu.vector_store %arg6[%swap3A_393, %swap3A_394], %swap3A_397 {strides = array<i32>} : memref<4x128xi32, #tpu.memory_space<vmem>>, vector<1x16xi32>,
    %get3A_398 = arith.constant 3 : i32
    %get3A_399 = arith.index_cast %get3A_398 : i32 to index
    %get3A_400 = arith.constant 112 : index
    %get3A_401 = tpu.vector_load %arg6[%get3A_399, %get3A_400] {strides = array<i32>} : memref<4x128xi32, #tpu.memory_space<vmem>>, vector<1x16xi32>,
    %get3A_402 = vector.shape_cast %get3A_401 : vector<1x16xi32> to vector<16xi32>
    %add3A_403 = arith.addi %get3A_402, %broadcast_in_dim3A : vector<16xi32>
    %swap3A_404 = arith.constant 3 : i32
    %swap3A_405 = arith.index_cast %swap3A_404 : i32 to index
    %swap3A_406 = arith.constant 112 : index
    %swap3A_407 = tpu.vector_load %arg6[%swap3A_405, %swap3A_406] {strides = array<i32>} : memref<4x128xi32, #tpu.memory_space<vmem>>, vector<1x16xi32>,
    %swap3A_408 = vector.shape_cast %swap3A_407 : vector<1x16xi32> to vector<16xi32>
    %swap3A_409 = vector.shape_cast %add3A_403 : vector<16xi32> to vector<1x16xi32>
    tpu.vector_store %arg6[%swap3A_405, %swap3A_406], %swap3A_409 {strides = array<i32>} : memref<4x128xi32, #tpu.memory_space<vmem>>, vector<1x16xi32>,
    %barrier3A = arith.constant 0 : index
    tpu.barrier barrier_id(%barrier3A)
    %dma_start3A_410 = arith.constant 0 : i32
    %dma_start3A_411 = arith.constant 0 : i32
    %dma_start3A_412 = arith.constant 0 : i32
    %dma_start3A_413 = tpu.memref_slice %arg8[%dma_start3A_411, %dma_start3A_412] : memref<512x128xf32, #tpu.memory_space<vmem>> -> memref<128x128xf32, #tpu.memory_space<vmem>>
    %dma_start3A_414 = arith.constant 0 : i32
    %dma_start3A_415 = tpu.memref_slice %arg6[%dma_start3A_410, %dma_start3A_414] : memref<4x128xi32, #tpu.memory_space<vmem>> -> memref<1x128xi32, #tpu.memory_space<vmem>>
    %dma_start3A_416 = tpu.memref_squeeze %dma_start3A_415 : memref<1x128xi32, #tpu.memory_space<vmem>> -> memref<128xi32, #tpu.memory_space<vmem>>
    %dma_start3A_417 = arith.constant 0 : i32
    %dma_start3A_418 = arith.constant 0 : i32
    %dma_start3A_419 = tpu.memref_slice %arg5[%dma_start3A_417, %dma_start3A_418] : memref<4608x128xf32, #tpu.memory_space<hbm>> -> memref<4608x128xf32, #tpu.memory_space<hbm>>
    tpu.enqueue_indirect_dma source(%dma_start3A_419 : memref<4608x128xf32, #tpu.memory_space<hbm>>) target(%dma_start3A_413 : memref<128x128xf32, #tpu.memory_space<vmem>>) offsets(%dma_start3A_416 : memref<128xi32, #tpu.memory_space<vmem>>) semaphore(%arg9 : memref<!tpu.dma_semaphore, #tpu.memory_space<semaphore_mem>>)
    %dma_start3A_420 = arith.constant 1 : i32
    %dma_start3A_421 = arith.constant 128 : i32
    %dma_start3A_422 = arith.constant 0 : i32
    %dma_start3A_423 = tpu.memref_slice %arg8[%dma_start3A_421, %dma_start3A_422] : memref<512x128xf32, #tpu.memory_space<vmem>> -> memref<128x128xf32, #tpu.memory_space<vmem>>
    %dma_start3A_424 = arith.constant 0 : i32
    %dma_start3A_425 = tpu.memref_slice %arg6[%dma_start3A_420, %dma_start3A_424] : memref<4x128xi32, #tpu.memory_space<vmem>> -> memref<1x128xi32, #tpu.memory_space<vmem>>
    %dma_start3A_426 = tpu.memref_squeeze %dma_start3A_425 : memref<1x128xi32, #tpu.memory_space<vmem>> -> memref<128xi32, #tpu.memory_space<vmem>>
    %dma_start3A_427 = arith.constant 0 : i32
    %dma_start3A_428 = arith.constant 0 : i32
    %dma_start3A_429 = tpu.memref_slice %arg5[%dma_start3A_427, %dma_start3A_428] : memref<4608x128xf32, #tpu.memory_space<hbm>> -> memref<4608x128xf32, #tpu.memory_space<hbm>>
    tpu.enqueue_indirect_dma source(%dma_start3A_429 : memref<4608x128xf32, #tpu.memory_space<hbm>>) target(%dma_start3A_423 : memref<128x128xf32, #tpu.memory_space<vmem>>) offsets(%dma_start3A_426 : memref<128xi32, #tpu.memory_space<vmem>>) semaphore(%arg9 : memref<!tpu.dma_semaphore, #tpu.memory_space<semaphore_mem>>)
    %dma_start3A_430 = arith.constant 2 : i32
    %dma_start3A_431 = arith.constant 256 : i32
    %dma_start3A_432 = arith.constant 0 : i32
    %dma_start3A_433 = tpu.memref_slice %arg8[%dma_start3A_431, %dma_start3A_432] : memref<512x128xf32, #tpu.memory_space<vmem>> -> memref<128x128xf32, #tpu.memory_space<vmem>>
    %dma_start3A_434 = arith.constant 0 : i32
    %dma_start3A_435 = tpu.memref_slice %arg6[%dma_start3A_430, %dma_start3A_434] : memref<4x128xi32, #tpu.memory_space<vmem>> -> memref<1x128xi32, #tpu.memory_space<vmem>>
    %dma_start3A_436 = tpu.memref_squeeze %dma_start3A_435 : memref<1x128xi32, #tpu.memory_space<vmem>> -> memref<128xi32, #tpu.memory_space<vmem>>
    %dma_start3A_437 = arith.constant 0 : i32
    %dma_start3A_438 = arith.constant 0 : i32
    %dma_start3A_439 = tpu.memref_slice %arg5[%dma_start3A_437, %dma_start3A_438] : memref<4608x128xf32, #tpu.memory_space<hbm>> -> memref<4608x128xf32, #tpu.memory_space<hbm>>
    tpu.enqueue_indirect_dma source(%dma_start3A_439 : memref<4608x128xf32, #tpu.memory_space<hbm>>) target(%dma_start3A_433 : memref<128x128xf32, #tpu.memory_space<vmem>>) offsets(%dma_start3A_436 : memref<128xi32, #tpu.memory_space<vmem>>) semaphore(%arg9 : memref<!tpu.dma_semaphore, #tpu.memory_space<semaphore_mem>>)
    %dma_start3A_440 = arith.constant 3 : i32
    %dma_start3A_441 = arith.constant 384 : i32
    %dma_start3A_442 = arith.constant 0 : i32
    %dma_start3A_443 = tpu.memref_slice %arg8[%dma_start3A_441, %dma_start3A_442] : memref<512x128xf32, #tpu.memory_space<vmem>> -> memref<128x128xf32, #tpu.memory_space<vmem>>
    %dma_start3A_444 = arith.constant 0 : i32
    %dma_start3A_445 = tpu.memref_slice %arg6[%dma_start3A_440, %dma_start3A_444] : memref<4x128xi32, #tpu.memory_space<vmem>> -> memref<1x128xi32, #tpu.memory_space<vmem>>
    %dma_start3A_446 = tpu.memref_squeeze %dma_start3A_445 : memref<1x128xi32, #tpu.memory_space<vmem>> -> memref<128xi32, #tpu.memory_space<vmem>>
    %dma_start3A_447 = arith.constant 0 : i32
    %dma_start3A_448 = arith.constant 0 : i32
    %dma_start3A_449 = tpu.memref_slice %arg5[%dma_start3A_447, %dma_start3A_448] : memref<4608x128xf32, #tpu.memory_space<hbm>> -> memref<4608x128xf32, #tpu.memory_space<hbm>>
    tpu.enqueue_indirect_dma source(%dma_start3A_449 : memref<4608x128xf32, #tpu.memory_space<hbm>>) target(%dma_start3A_443 : memref<128x128xf32, #tpu.memory_space<vmem>>) offsets(%dma_start3A_446 : memref<128xi32, #tpu.memory_space<vmem>>) semaphore(%arg9 : memref<!tpu.dma_semaphore, #tpu.memory_space<semaphore_mem>>)
    %dma_wait3A_450 = arith.constant 0 : i32
    %dma_wait3A_451 = arith.constant 0 : i32
    %dma_wait3A_452 = arith.constant 0 : i32
    %dma_wait3A_453 = tpu.memref_slice %arg8[%dma_wait3A_451, %dma_wait3A_452] : memref<512x128xf32, #tpu.memory_space<vmem>> -> memref<128x128xf32, #tpu.memory_space<vmem>>
    %dma_wait3A_454 = arith.constant 0 : i32
    %dma_wait3A_455 = tpu.memref_slice %arg6[%dma_wait3A_450, %dma_wait3A_454] : memref<4x128xi32, #tpu.memory_space<vmem>> -> memref<1x128xi32, #tpu.memory_space<vmem>>
    %dma_wait3A_456 = tpu.memref_squeeze %dma_wait3A_455 : memref<1x128xi32, #tpu.memory_space<vmem>> -> memref<128xi32, #tpu.memory_space<vmem>>
    %dma_wait3A_457 = arith.constant 0 : i32
    %dma_wait3A_458 = arith.constant 0 : i32
    %dma_wait3A_459 = tpu.memref_slice %arg5[%dma_wait3A_457, %dma_wait3A_458] : memref<4608x128xf32, #tpu.memory_space<hbm>> -> memref<4608x128xf32, #tpu.memory_space<hbm>>
    tpu.wait_indirect_dma semaphore(%arg9 : memref<!tpu.dma_semaphore, #tpu.memory_space<semaphore_mem>>) src(%dma_wait3A_459 : memref<4608x128xf32, #tpu.memory_space<hbm>>) dst(%dma_wait3A_453 : memref<128x128xf32, #tpu.memory_space<vmem>>)
    %dma_wait3A_460 = arith.constant 1 : i32
    %dma_wait3A_461 = arith.constant 128 : i32
    %dma_wait3A_462 = arith.constant 0 : i32
    %dma_wait3A_463 = tpu.memref_slice %arg8[%dma_wait3A_461, %dma_wait3A_462] : memref<512x128xf32, #tpu.memory_space<vmem>> -> memref<128x128xf32, #tpu.memory_space<vmem>>
    %dma_wait3A_464 = arith.constant 0 : i32
    %dma_wait3A_465 = tpu.memref_slice %arg6[%dma_wait3A_460, %dma_wait3A_464] : memref<4x128xi32, #tpu.memory_space<vmem>> -> memref<1x128xi32, #tpu.memory_space<vmem>>
    %dma_wait3A_466 = tpu.memref_squeeze %dma_wait3A_465 : memref<1x128xi32, #tpu.memory_space<vmem>> -> memref<128xi32, #tpu.memory_space<vmem>>
    %dma_wait3A_467 = arith.constant 0 : i32
    %dma_wait3A_468 = arith.constant 0 : i32
    %dma_wait3A_469 = tpu.memref_slice %arg5[%dma_wait3A_467, %dma_wait3A_468] : memref<4608x128xf32, #tpu.memory_space<hbm>> -> memref<4608x128xf32, #tpu.memory_space<hbm>>
    tpu.wait_indirect_dma semaphore(%arg9 : memref<!tpu.dma_semaphore, #tpu.memory_space<semaphore_mem>>) src(%dma_wait3A_469 : memref<4608x128xf32, #tpu.memory_space<hbm>>) dst(%dma_wait3A_463 : memref<128x128xf32, #tpu.memory_space<vmem>>)
    %dma_wait3A_470 = arith.constant 2 : i32
    %dma_wait3A_471 = arith.constant 256 : i32
    %dma_wait3A_472 = arith.constant 0 : i32
    %dma_wait3A_473 = tpu.memref_slice %arg8[%dma_wait3A_471, %dma_wait3A_472] : memref<512x128xf32, #tpu.memory_space<vmem>> -> memref<128x128xf32, #tpu.memory_space<vmem>>
    %dma_wait3A_474 = arith.constant 0 : i32
    %dma_wait3A_475 = tpu.memref_slice %arg6[%dma_wait3A_470, %dma_wait3A_474] : memref<4x128xi32, #tpu.memory_space<vmem>> -> memref<1x128xi32, #tpu.memory_space<vmem>>
    %dma_wait3A_476 = tpu.memref_squeeze %dma_wait3A_475 : memref<1x128xi32, #tpu.memory_space<vmem>> -> memref<128xi32, #tpu.memory_space<vmem>>
    %dma_wait3A_477 = arith.constant 0 : i32
    %dma_wait3A_478 = arith.constant 0 : i32
    %dma_wait3A_479 = tpu.memref_slice %arg5[%dma_wait3A_477, %dma_wait3A_478] : memref<4608x128xf32, #tpu.memory_space<hbm>> -> memref<4608x128xf32, #tpu.memory_space<hbm>>
    tpu.wait_indirect_dma semaphore(%arg9 : memref<!tpu.dma_semaphore, #tpu.memory_space<semaphore_mem>>) src(%dma_wait3A_479 : memref<4608x128xf32, #tpu.memory_space<hbm>>) dst(%dma_wait3A_473 : memref<128x128xf32, #tpu.memory_space<vmem>>)
    %dma_wait3A_480 = arith.constant 3 : i32
    %dma_wait3A_481 = arith.constant 384 : i32
    %dma_wait3A_482 = arith.constant 0 : i32
    %dma_wait3A_483 = tpu.memref_slice %arg8[%dma_wait3A_481, %dma_wait3A_482] : memref<512x128xf32, #tpu.memory_space<vmem>> -> memref<128x128xf32, #tpu.memory_space<vmem>>
    %dma_wait3A_484 = arith.constant 0 : i32
    %dma_wait3A_485 = tpu.memref_slice %arg6[%dma_wait3A_480, %dma_wait3A_484] : memref<4x128xi32, #tpu.memory_space<vmem>> -> memref<1x128xi32, #tpu.memory_space<vmem>>
    %dma_wait3A_486 = tpu.memref_squeeze %dma_wait3A_485 : memref<1x128xi32, #tpu.memory_space<vmem>> -> memref<128xi32, #tpu.memory_space<vmem>>
    %dma_wait3A_487 = arith.constant 0 : i32
    %dma_wait3A_488 = arith.constant 0 : i32
    %dma_wait3A_489 = tpu.memref_slice %arg5[%dma_wait3A_487, %dma_wait3A_488] : memref<4608x128xf32, #tpu.memory_space<hbm>> -> memref<4608x128xf32, #tpu.memory_space<hbm>>
    tpu.wait_indirect_dma semaphore(%arg9 : memref<!tpu.dma_semaphore, #tpu.memory_space<semaphore_mem>>) src(%dma_wait3A_489 : memref<4608x128xf32, #tpu.memory_space<hbm>>) dst(%dma_wait3A_483 : memref<128x128xf32, #tpu.memory_space<vmem>>)
    "tpu.region"() ({
      %run_scoped3A = tpu.sem_alloc : memref<!tpu.dma_semaphore, #tpu.memory_space<semaphore_mem>>
      %dma_start3A_490 = arith.constant 0 : i32
      %dma_start3A_491 = tpu.memref_slice %arg4[%mul3A_2, %dma_start3A_490] : memref<16384x128xf32, #tpu.memory_space<hbm>> -> memref<512x128xf32, #tpu.memory_space<hbm>>
      %dma_start3A_492 = arith.constant 0 : i32
      %dma_start3A_493 = tpu.memref_slice %arg4[%mul3A_2, %dma_start3A_492] : memref<16384x128xf32, #tpu.memory_space<hbm>> -> memref<512x128xf32, #tpu.memory_space<hbm>>
      tpu.enqueue_dma source(%arg8 : memref<512x128xf32, #tpu.memory_space<vmem>>) target(%dma_start3A_493 : memref<512x128xf32, #tpu.memory_space<hbm>>) target_semaphore(%run_scoped3A : memref<!tpu.dma_semaphore, #tpu.memory_space<semaphore_mem>>)
      %dma_wait3A_494 = arith.constant 0 : i32
      %dma_wait3A_495 = tpu.memref_slice %arg4[%mul3A_2, %dma_wait3A_494] : memref<16384x128xf32, #tpu.memory_space<hbm>> -> memref<512x128xf32, #tpu.memory_space<hbm>>
      %dma_wait3A_496 = arith.constant 0 : i32
      %dma_wait3A_497 = tpu.memref_slice %arg4[%mul3A_2, %dma_wait3A_496] : memref<16384x128xf32, #tpu.memory_space<hbm>> -> memref<512x128xf32, #tpu.memory_space<hbm>>
      tpu.wait_dma2 semaphore(%run_scoped3A : memref<!tpu.dma_semaphore, #tpu.memory_space<semaphore_mem>>) src(%arg8 : memref<512x128xf32, #tpu.memory_space<vmem>>) dst(%dma_wait3A_497 : memref<512x128xf32, #tpu.memory_space<hbm>>)
      tpu.yield
    }) : () -> ()
    return
  }
}

</mosaic_0001>

<sc_bundles>
// kernel: kernel.3.cloned.1.call-start
scs
__scs_entry_jumppad:
0x0: {  	(pc) =	sbr.rel $0x88, $3  }
0x1: {  	(tag) =	ssettag $0x0;
	lr =	simm.s32 $0x1  }
0x2: {  	[smem:$0x3F9F] =	sst lr;
	_ =	strace $0xD0000000  }
0x3: {  	_ = 	snop  }
0x4: {  	_ = 	snop  }
0x5: {  	_ = 	snop  }
0x6: {  	_ = 	snop  }
0x7: {  	_ = 	snop  }
__scs_overlays_trampoline_lowered:
0x8: {  	[smem:$0x3FAE] =	sst s0  }
0x9: {  	[smem:$0x3FAF] =	sst s1  }
0xa: {  	[smem:$0x3FB0] =	sst s2  }
0xb: {  	[smem:$0x3FB1] =	sst s3  }
0xc: {  	[smem:$0x3FB2] =	sst s4  }
0xd: {  	[smem:$0x3FB3] =	sst s5  }
0xe: {  	[smem:$0x3FB4] =	sst s6  }
0xf: {  	[smem:$0x3FB5] =	sst s7  }
0x10: {  	[smem:$0x3FB6] =	sst s8  }
0x11: {  	[smem:$0x3FB7] =	sst s9;
	s0 =	simm.s32 @!p0 $0x0  }
0x12: {  	s1 =	sld [smem:$0x3F9D];
	s0 =	simm.s32 @p0 $0x1  }
0x13: {  	[smem:$0x3FB8] =	sst s0;
	s0 =	simm.s32 @!p1 $0x0  }
0x14: {  	s2 =	sld [smem:$0x3F9C];
	s0 =	simm.s32 @p1 $0x1  }
0x15: {  	[smem:$0x3FB9] =	sst s0;
	s0 =	simm.s32 @!p2 $0x0  }
0x16: {  	s3 =	sld [smem:$0x3FDB];
	s0 =	simm.s32 @p2 $0x1  }
0x17: {  	s4 =	simm.s32 $0x1BF5;
	[smem:$0x3FBB] =	sst s0  }
0x18: {  	s0 =	sld [smem:$0x3F9E];
	_ =	swait.ge [sflag:s4], $0x0  }
0x19: {  	s7 =	sld [smem:$0x3F9F]  }
0x1a: {  	s8 =	sadd.s32 $0xFFFFE003, lr  }
0x1b: {  	s9 =	sadd.s32 $0xFFFFFEF7, lr;
	s5 =	simm.s32 $0xFFFFFFFF;
	p2 =	slt.u32 s8, $0xFFFFF086  }
0x1c: {  	p1 =	slt.u32 s9, $0xF7A;
	s5 =	simm.s32 @!p2 $0x0  }
0x1d: {  	s5 =	simm.s32 @p1 $0x1;
	p0 =	seq.s32 s7, s2  }
0x1e: {  	s7 =	smul.u32 @!p0 $0xF7A, s2;
	p2 =	seq.s32 @!p0 s5, $0x0  }
0x1f: {  	s9 =	smul.u32 $0xF7A, s1;
	s8 =	simm.s32 @!p0 $0x1BF5;
	p2 =	por !p2, p0  }
0x20: {  	[sflag:s8] =	ssyncset.s32 @!p0 $0xFFFFF086;
	s6 =	sadd.s32 @!p0 s3, s7;
	s7 =	simm.s32 @!p0 $0x108  }
0x21: {  	s3 =	sadd.s32 s3, s9;
	s6 =	sadd.s32 @!p0 $0x88, s6;
	s7 =	simm.s32 @p2 $0x1082  }
0x22: {  	[simem:s7], [sflag:s8] =	dma.local @!p0 [hbm:s6], $0xF7A  }
0x23: {  	s9 =	sor.u32 $0xD0000000, s2;
	s6 =	simm.s32 $0x108;
	_ =	swait.ge @!p0 [sflag:s8], $0x0  }
0x24: {  	s3 =	sadd.s32 $0x88, s3;
	s6 =	simm.s32 @!p1 $0x1082;
	[sflag:s4] =	ssyncset.s32 $0xFFFFF086  }
0x25: {  	[simem:s6], [sflag:s4] =	dma.local [hbm:s3], $0xF7A  }
0x26: {  	[smem:$0x3F9F] =	sst s1;
	(tag) =	ssettag s2;
	_ =	strace s9  }
0x27: {  	s1 =	sld [smem:$0x3FAF]  }
0x28: {  	s2 =	sld [smem:$0x3FB0]  }
0x29: {  	s4 =	sld [smem:$0x3FB2]  }
0x2a: {  	p0 =	seq.s32 s5, $0x0;
	s5 =	sld [smem:$0x3FB3]  }
0x2b: {  	s6 =	sld [smem:$0x3FB4]  }
0x2c: {  	s7 =	sld [smem:$0x3FB5]  }
0x2d: {  	s3 =	simm.s32 $0x108;
	s8 =	sld [smem:$0x3FB6]  }
0x2e: {  	s3 =	simm.s32 @!p0 $0x1082;
	s9 =	sld [smem:$0x3FB7]  }
0x2f: {  	lr =	sadd.s32 s0, s3;
	s0 =	sld [smem:$0x3FAE]  }
0x30: {  	s3 =	sld [smem:$0x3FB1]  }
0x31: {  	[smem:$0x3FBA] =	sst s10  }
0x32: {  	s10 =	sld [smem:$0x3FB8];
	_ =	sdelay $0x3  }
0x33: {  	p0 =	seq.s32 s10, $0x1;
	s10 =	sld [smem:$0x3FBA];
	_ =	sdelay $0x3  }
0x34: {  	[smem:$0x3FBA] =	sst s10  }
0x35: {  	s10 =	sld [smem:$0x3FB9];
	_ =	sdelay $0x3  }
0x36: {  	p1 =	seq.s32 s10, $0x1;
	s10 =	sld [smem:$0x3FBA];
	_ =	sdelay $0x3  }
0x37: {  	[smem:$0x3FBA] =	sst s10  }
0x38: {  	s10 =	sld [smem:$0x3FBB]  }
0x39: {  	_ = 	snop;
	(pc) =	sbr.ind lr, $3  }
0x3a: {  	_ = 	snop  }
0x3b: {  	_ = 	snop  }
0x3c: {  	p2 =	seq.s32 s10, $0x1;
	s10 =	sld [smem:$0x3FBA]  }
0x3d: {  	_ =	shalt  }
0x3e: {  	_ =	shalt  }
0x3f: {  	_ =	shalt  }
0x40: {  	_ =	shalt  }
0x41: {  	_ =	shalt  }
0x42: {  	_ =	shalt  }
0x43: {  	_ =	shalt  }
0x44: {  	_ =	shalt  }
0x45: {  	_ =	shalt  }
0x46: {  	_ =	shalt  }
0x47: {  	_ =	shalt  }
0x48: {  	_ =	shalt  }
0x49: {  	_ =	shalt  }
0x4a: {  	_ =	shalt  }
0x4b: {  	_ =	shalt  }
0x4c: {  	_ =	shalt  }
0x4d: {  	_ =	shalt  }
0x4e: {  	_ =	shalt  }
0x4f: {  	_ =	shalt  }
0x50: {  	_ =	shalt  }
0x51: {  	_ =	shalt  }
0x52: {  	_ =	shalt  }
0x53: {  	_ =	shalt  }
0x54: {  	_ =	shalt  }
0x55: {  	_ =	shalt  }
0x56: {  	_ =	shalt  }
0x57: {  	_ =	shalt  }
0x58: {  	_ =	shalt  }
0x59: {  	_ =	shalt  }
0x5a: {  	_ =	shalt  }
0x5b: {  	_ =	shalt  }
0x5c: {  	_ =	shalt  }
0x5d: {  	_ =	shalt  }
0x5e: {  	_ =	shalt  }
0x5f: {  	_ =	shalt  }
0x60: {  	_ =	shalt  }
0x61: {  	_ =	shalt  }
0x62: {  	_ =	shalt  }
0x63: {  	_ =	shalt  }
0x64: {  	_ =	shalt  }
0x65: {  	_ =	shalt  }
0x66: {  	_ =	shalt  }
0x67: {  	_ =	shalt  }
0x68: {  	_ =	shalt  }
0x69: {  	_ =	shalt  }
0x6a: {  	_ =	shalt  }
0x6b: {  	_ =	shalt  }
0x6c: {  	_ =	shalt  }
0x6d: {  	_ =	shalt  }
0x6e: {  	_ =	shalt  }
0x6f: {  	_ =	shalt  }
0x70: {  	_ =	shalt  }
0x71: {  	_ =	shalt  }
0x72: {  	_ =	shalt  }
0x73: {  	_ =	shalt  }
0x74: {  	_ =	shalt  }
0x75: {  	_ =	shalt  }
0x76: {  	_ =	shalt  }
0x77: {  	_ =	shalt  }
0x78: {  	_ =	shalt  }
0x79: {  	_ =	shalt  }
0x7a: {  	_ =	shalt  }
0x7b: {  	_ =	shalt  }
0x7c: {  	_ =	shalt  }
0x7d: {  	_ =	shalt  }
0x7e: {  	_ =	shalt  }
0x7f: {  	_ =	shalt  }
0x80: {  	_ =	shalt  }
0x81: {  	_ =	shalt  }
0x82: {  	_ =	shalt  }
0x83: {  	_ =	shalt  }
0x84: {  	_ =	shalt  }
0x85: {  	_ =	shalt  }
0x86: {  	_ =	shalt  }
0x87: {  	_ =	shalt  }
.Lfunc_end0:
.L_simem_size_0:
called_computation_lowered:
.L_overlay_start_0:
0x88: {  	s2 =	sld [smem:$0x3FD9]  }
0x89: {  	s3 =	sld [smem:$0x3FFE];
	_ =	sdelay $0x1  }
0x8a: {  	s1 =	srdreg.scid  }
0x8b: {  	s0 =	sand.u32 $0x1, s1  }
0x8c: {  	s17 =	sshll.u32 s0, $0xA;
	s2 =	sadd.s32 s3, s2  }
0x8d: {  	s2 =	sadd.s32 s2, s17  }
0x8e: {  	[smem:$0x3FC6] =	sst s2  }
0x8f: {  	_ = 	snop  }
0x90: {  	s2 =	sld [smem:$0x3FC9]  }
0x91: {  	s18 =	sld [smem:$0x3FC8]  }
0x92: {  	s4 =	sld [smem:$0x3FD0];
	(tm) =	ssettm $0x1  }
0x93: {  	s5 =	sld [smem:$0x3FFB];
	_ =	sdelay $0x3  }
0x94: {  	_ =	strace s5  }
0x95: {  	s5 =	sld [smem:$0x3FFC];
	_ =	sdelay $0x3  }
0x96: {  	_ =	strace s5  }
0x97: {  	s5 =	sld [smem:$0x3FFD];
	_ =	sdelay $0x3  }
0x98: {  	_ =	strace s5  }
0x99: {  	_ =	strace $0x8FFFFFFF  }
0x9a: {  	s19 =	sld [smem:$0x3FDB];
	_ =	sdelay $0x1  }
0x9b: {  	s6 =	simm.s32 $_scs_section_size  }
0x9c: {  	s7 =	simm.s32 $_size__tile_overlayer_lowered;
	s8 =	simm.s32 $_tile_overlayer_lowered  }
0x9d: {  	s22 =	simm.s32 $0x1BFF;
	s21 =	sshll.u32 s8, $0x1;
	s5 =	sadd.s32 s6, s19  }
0x9e: {  	s9 =	simm.s32 $0x0;
	s20 =	sshll.u32 s7, $0x1;
	s7 =	sadd.s32 s21, s5  }
0x9f: {  	[timem:s9], [sflag:s22] =	dma.local [hbm:s7], s20  }
0xa0: {  	_ =	swait.ge [sflag:s22], s20  }
0xa1: {  	s6 =	ssub.s32 $0x0, s20;
	[sflag:s22] =	ssyncset.done $0x0  }
0xa2: {  	[sflag:s22] =	ssyncadd.s32 s6;
	_ =	sdelay $0x1  }
0xa3: {  	s23 =	simm.s32 $0x1B8B  }
0xa4: {  	_ =	swait.ge [sflag:s23], $0x1  }
0xa5: {  	[sflag:s23] =	ssyncset.done $0x0  }
0xa6: {  	s25 =	simm.s32 $0x1B8E;
	s24 =	sld [smem:$0x3FFE];
	[sflag:s23] =	ssyncadd.s32 $0xFFFFFFFF  }
0xa7: {  	s26 =	simm.s32 $execute0_lowered;
	[smem:$0x3FD2] =	sst s25  }
0xa8: {  	s7 =	sshll.u32 s26, $0x1;
	_ =	strace $0x80000046;
	[dreg:$0x1] =	wrdreg $0xFFFFFFFF  }
0xa9: {  	s28 =	simm.s32 $_size_execute0_lowered;
	s5 =	sadd.s32 s5, s7;
	[dreg:$0x0] =	wrdreg $0x0  }
0xaa: {  	s7 =	sshll.u32 s28, $0x1;
	[dreg:$0x2] =	wrdreg s5  }
0xab: {  	[dreg:$0x3] =	wrdreg s7  }
0xac: {  	[dreg:$0x4] =	wrdreg $0xC0  }
0xad: {  	_ =	task [dreg:s9], $0x5FFFF  }
0xae: {  	[dreg:$0x1] =	wrdreg $0xFFFFFFFF  }
0xaf: {  	[dreg:$0x0] =	wrdreg $0x60  }
0xb0: {  	[dreg:$0x2] =	wrdreg s2  }
0xb1: {  	[dreg:$0x3] =	wrdreg s18  }
0xb2: {  	[dreg:$0x4] =	wrdreg s4  }
0xb3: {  	[dreg:$0x5] =	wrdreg s24  }
0xb4: {  	[dreg:$0x6] =	wrdreg $0x9  }
0xb5: {  	_ =	task.clear_ibuf [dreg:s9], $0x7FFFF;
	_ =	strace $0x90000046  }
0xb6: {  	s29 =	simm.s32 $0x9;
	_ =	strace $0x80000048  }
0xb7: {  	_ =	swait.ge [sflag:s29], $0x1  }
0xb8: {  	[sflag:s29] =	ssyncadd.s32 $0xFFFFFFFF  }
0xb9: {  	_ =	strace $0x90000048  }
0xba: {  	_ =	sfence  }
0xbb: {  	s30 =	sld [smem:$0x0];
	_ =	sdelay $0x2  }
0xbc: {  	s31 =	sshll.u32 s1, $0xD;
	s1 =	sshrl.u32 s1, $0x2  }
0xbd: {  	s3 =	sand.u32 $0x4000, s31;
	s1 =	sadd.s32 s1, s30  }
0xbe: {  	s0 =	sor.u32 s3, s0;
	s1 =	sshll.u32 s1, $0x11  }
0xbf: {  	s0 =	sor.u32 s1, s0  }
0xc0: {  	s0 =	sadd.s32 $0x8F2B, s0  }
0xc1: {  	[sflag:s0] =	ssyncadd.remote.s32 $0x1  }
0xc2: {  	_ =	sfence.sel $0xFFFF  }
0xc3: {  	[dreg:$0x0] =	wrdreg $0xFFFFFFFF;
	(pc) =	sbr.abs _section_cstart, $3  }
0xc4: {  	[dreg:$0x1] =	wrdreg $0xFFFFFFFF  }
0xc5: {  	_ =	task.clear_ibuf [dreg:s9], $0x2FFFF;
	_ =	strace $0x9FFFFFFF  }
0xc6: {  	(tm) =	ssettm $0x7FFFFFFF  }
0xc7: {  	_ =	shalt  }
tec
execute0_lowered:
.L_overlay_start_1:
0x0: {  	(tag) =	ssettag $0x1  }
0x1: {  	s3 =	rddreg [dreg:$0x0]  }
0x2: {  	s5 =	rddreg [dreg:$0x1]  }
0x3: {  	s19 =	rddreg [dreg:$0x2]  }
0x4: {  	s9 =	rddreg [dreg:$0x3];
	s1 =	srdreg.scid  }
0x5: {  	s0 =	rddreg [dreg:$0x4];
	s2 =	simm.s32 $0x0;
	s20 =	sand.u32 $0x1, s1  }
0x6: {  	[smem:$0x7FF] =	sst s2;
	s1 =	stileid.u32;
	s4 =	sshll.u32 s20, $0x6  }
0x7: {  	s6 =	sshll.u32 s1, $0x7;
	s7 =	smul.u32 $0x180, s1;
	_ =	strace $0x80000047  }
0x8: {  	s23 =	smul.u32 $0x18, s1;
	p0 =	sgt.u32 s1, $0xB;
	s3 =	sadd.s32 s3, s4  }
0x9: {  	s10 =	smul.u32 $0x900, s20;
	s8 =	simm.s32 @!p0 $0x3;
	s4 =	sadd.s32 s6, s3  }
0xa: {  	[tilespmem:s2], [sflag:$0x1] =	stream.linear.gather [hbm4b:s4+s2], $0x200, $0x38;
	[tilespmem:$0x10E00] =	vst v63  }
0xb: {  	s5 =	sadd.s32 s5, s7;
	s6 =	simm.s32 @!p0 $0x0;
	s7 =	simm.s32 @!p0 $0x200  }
0xc: {  	[tilespmem:s7], [sflag:$0x3] =	stream.linear.gather @!p0 [hbm4b:s5+s6], $0xC00, $0x38;
	[tilespmem:$0x10E00] =	vst v63  }
0xd: {  	s10 =	sadd.s32 s23, s10;
	_ =	swait.ge @!p0 [sflag:s8], $0xC00  }
0xe: {  	s3 =	sadd.s32 $0x800, s9;
	s24 =	sshll.u32 s10, $0x4;
	[sflag:s8] =	ssyncset.done @!p0 $0x0  }
0xf: {  	s9 =	sadd.s32 s3, s24;
	[sflag:s8] =	ssyncadd.s32 @!p0 $0xFFFFF400  }
0x10: {  	[hbm4b:s9+s6] =	stream.linear.scatter @!p0 [tilespmem:s7], [sflag:$0x2], $0xC00, $0x38;
	[tilespmem:$0x10E00] =	vst v63  }
0x11: {  	s10 =	sadd.s32 $0x1200, s9  }
0x12: {  	[hbm4b:s10+s6] =	stream.linear.scatter @!p0 [tilespmem:s7], [sflag:$0x2], $0xC00, $0x38;
	[tilespmem:$0x10E00] =	vst v63  }
0x13: {  	s12 =	sadd.s32 $0x2400, s9  }
0x14: {  	[hbm4b:s12+s6] =	stream.linear.scatter @!p0 [tilespmem:s7], [sflag:$0x2], $0xC00, $0x38;
	[tilespmem:$0x10E00] =	vst v63  }
0x15: {  	s13 =	sadd.s32 $0x3600, s9  }
0x16: {  	[hbm4b:s13+s6] =	stream.linear.scatter @!p0 [tilespmem:s7], [sflag:$0x2], $0xC00, $0x38;
	[tilespmem:$0x10E00] =	vst v63  }
0x17: {  	s14 =	sadd.s32 $0x4800, s9  }
0x18: {  	[hbm4b:s14+s6] =	stream.linear.scatter @!p0 [tilespmem:s7], [sflag:$0x2], $0xC00, $0x38;
	[tilespmem:$0x10E00] =	vst v63  }
0x19: {  	s15 =	sadd.s32 $0x5A00, s9  }
0x1a: {  	[hbm4b:s15+s6] =	stream.linear.scatter @!p0 [tilespmem:s7], [sflag:$0x2], $0xC00, $0x38;
	[tilespmem:$0x10E00] =	vst v63  }
0x1b: {  	s16 =	sadd.s32 $0x6C00, s9  }
0x1c: {  	[hbm4b:s16+s6] =	stream.linear.scatter @!p0 [tilespmem:s7], [sflag:$0x2], $0xC00, $0x38;
	[tilespmem:$0x10E00] =	vst v63  }
0x1d: {  	s18 =	simm.s32 @!p0 $0x2;
	s17 =	sadd.s32 $0x7E00, s9  }
0x1e: {  	[hbm4b:s17+s6] =	stream.linear.scatter @!p0 [tilespmem:s7], [sflag:$0x2], $0xC00, $0x38;
	[tilespmem:$0x10E00] =	vst v63  }
0x1f: {  	_ =	swait.ge @!p0 [sflag:s18], $0xC00  }
0x20: {  	[sflag:s18] =	ssyncset.done @!p0 $0x0  }
0x21: {  	[sflag:s18] =	ssyncadd.s32 @!p0 $0xFFFFF400  }
0x22: {  	_ =	swait.ge @!p0 [sflag:s18], $0xC00  }
0x23: {  	[sflag:s18] =	ssyncset.done @!p0 $0x0  }
0x24: {  	[sflag:s18] =	ssyncadd.s32 @!p0 $0xFFFFF400  }
0x25: {  	_ =	swait.ge @!p0 [sflag:s18], $0xC00  }
0x26: {  	[sflag:s18] =	ssyncset.done @!p0 $0x0  }
0x27: {  	[sflag:s18] =	ssyncadd.s32 @!p0 $0xFFFFF400  }
0x28: {  	_ =	swait.ge @!p0 [sflag:s18], $0xC00  }
0x29: {  	[sflag:s18] =	ssyncset.done @!p0 $0x0  }
0x2a: {  	[sflag:s18] =	ssyncadd.s32 @!p0 $0xFFFFF400  }
0x2b: {  	_ =	swait.ge @!p0 [sflag:s18], $0xC00  }
0x2c: {  	[sflag:s18] =	ssyncset.done @!p0 $0x0  }
0x2d: {  	[sflag:s18] =	ssyncadd.s32 @!p0 $0xFFFFF400  }
0x2e: {  	_ =	swait.ge @!p0 [sflag:s18], $0xC00  }
0x2f: {  	[sflag:s18] =	ssyncset.done @!p0 $0x0  }
0x30: {  	[sflag:s18] =	ssyncadd.s32 @!p0 $0xFFFFF400  }
0x31: {  	_ =	swait.ge @!p0 [sflag:s18], $0xC00  }
0x32: {  	[sflag:s18] =	ssyncset.done @!p0 $0x0  }
0x33: {  	[sflag:s18] =	ssyncadd.s32 @!p0 $0xFFFFF400  }
0x34: {  	_ =	swait.ge @!p0 [sflag:s18], $0xC00  }
0x35: {  	[sflag:s18] =	ssyncset.done @!p0 $0x0  }
0x36: {  	s11 =	simm.s32 $0x1;
	[sflag:s18] =	ssyncadd.s32 @!p0 $0xFFFFF400  }
0x37: {  	_ =	swait.ge [sflag:s11], $0x200  }
0x38: {  	[sflag:s11] =	ssyncset.done $0x0  }
0x39: {  	[sflag:s11] =	ssyncadd.s32 $0xFFFFFE00  }
0x3a: {  	v2 =	vld [tilespmem:$0x1F0]  }
0x3b: {  	s21 =	sshll.u32 s20, $0x3;
	s22 =	sand.u32 $0x7, s1;
	v3 =	vld [tilespmem:$0x130]  }
0x3c: {  	s21 =	sor.u32 s22, s21;
	v5 =	vld [tilespmem:$0x190]  }
0x3d: {  	s21 =	smul.u32 $0x120, s21;
	v7 =	vld [tilespmem:$0x160]  }
0x3e: {  	v4 =	vld [tilespmem:$0x1A0]  }
0x3f: {  	v0 =	vmov s21;
	v6 =	vld [tilespmem:$0x180]  }
0x40: {  	v8 =	vld [tilespmem:$0xB0];
	v2 =	vadd.s32 v0, v2  }
0x41: {  	v5 =	vadd.s32 v0, v5;
	[tilespmem:$0x1F0] =	vst v2;
	v2 =	vadd.s32 v0, v3;
	v3 =	vld [tilespmem:$0x150]  }
0x42: {  	v7 =	vadd.s32 v0, v7;
	[tilespmem:$0x190] =	vst v5;
	v5 =	vld [tilespmem:$0x110]  }
0x43: {  	[tilespmem:$0x160] =	vst v7;
	v7 =	vld [tilespmem:$0xE0]  }
0x44: {  	v4 =	vadd.s32 v0, v4;
	[tilespmem:$0x130] =	vst v2;
	v2 =	vld [tilespmem:$0x140]  }
0x45: {  	v6 =	vadd.s32 v0, v6;
	[tilespmem:$0x1A0] =	vst v4;
	v4 =	vld [tilespmem:$0x120]  }
0x46: {  	[tilespmem:$0x180] =	vst v6;
	v6 =	vld [tilespmem:$0x100];
	v3 =	vadd.s32 v0, v3  }
0x47: {  	v5 =	vadd.s32 v0, v5;
	[tilespmem:$0x150] =	vst v3;
	v3 =	vadd.s32 v0, v8;
	v8 =	vld [tilespmem:$0xD0]  }
0x48: {  	v7 =	vadd.s32 v0, v7;
	[tilespmem:$0x110] =	vst v5;
	v5 =	vld [tilespmem:$0x90]  }
0x49: {  	v2 =	vadd.s32 v0, v2;
	[tilespmem:$0xE0] =	vst v7;
	v7 =	vld [tilespmem:$0x70]  }
0x4a: {  	[tilespmem:$0x140] =	vst v2;
	v2 =	vld [tilespmem:$0xC0]  }
0x4b: {  	[tilespmem:$0xB0] =	vst v3;
	v3 =	vadd.s32 v0, v4;
	v4 =	vld [tilespmem:$0x30]  }
0x4c: {  	v6 =	vadd.s32 v0, v6;
	[tilespmem:$0x120] =	vst v3;
	v3 =	vld [tilespmem:$0xA0]  }
0x4d: {  	s25 =	ssub.s32 $0x2, s20;
	[tilespmem:$0x100] =	vst v6;
	v6 =	vld [tilespmem:$0x80];
	v8 =	vadd.s32 v0, v8  }
0x4e: {  	s26 =	sshrl.u32 s25, $0x1;
	v1 =	vld [tilespmem:$0x1B0];
	v7 =	vadd.s32 v0, v7;
	[tilespmem:$0xD0] =	vst v8  }
0x4f: {  	s21 =	ssub.s32 s25, s26;
	v2 =	vadd.s32 v0, v2;
	v8 =	vld [tilespmem:$0x60];
	[tilespmem:$0x70] =	vst v7  }
0x50: {  	s31 =	smax.u32 s21, $0x1;
	v9 =	vld [tilespmem:$0x40];
	v4 =	vadd.s32 v0, v4;
	[tilespmem:$0xC0] =	vst v2  }
0x51: {  	s29 =	sadd.s32 $0xFFFFFFFF, s31;
	[tilespmem:$0x30] =	vst v4;
	v4 =	vld [tilespmem:$0x50];
	v2 =	vadd.s32 v0, v3  }
0x52: {  	p1 =	sne.s32 s29, $0x0;
	v3 =	vadd.s32 v0, v5;
	v5 =	vadd.s32 v0, v6;
	v6 =	vld [tilespmem:$0x170];
	[tilespmem:$0xA0] =	vst v2  }
.Ltmp0:
0x53: {  	[tilespmem:$0x90] =	vst v3;
	v2 =	vld [tilespmem:$0x20];
	(pc) =	sbr.rel @!p1 .LBB2_2-.Ltmp0, $4  }
0x54: {  	s28 =	simm.s32 $0xCE00;
	s20 =	sshll.u32 s20, $0xD;
	s30 =	sshll.u32 s1, $0xE;
	[tilespmem:$0x80] =	vst v5;
	v3 =	vld [tilespmem:$0x10];
	v5 =	vadd.s32 v0, v8  }
0x55: {  	s19 =	sadd.s32 s19, s20;
	s20 =	simm.s32 $0xE00;
	s22 =	simm.s32 $0x3;
	v8 =	vadd.s32 v0, v9;
	[tilespmem:$0x60] =	vst v5;
	v5 =	vld [tilespmem:$0xF0]  }
0x56: {  	s19 =	sadd.s32 s30, s19;
	s23 =	simm.s32 $0x4E00;
	s24 =	simm.s32 $0x100;
	v7 =	vadd.s32 v0, v4;
	v4 =	vld [tilespmem:$0x0];
	[tilespmem:$0x40] =	vst v8  }
0x57: {  	s25 =	simm.s32 $0x8E00;
	s26 =	simm.s32 $0x180;
	s21 =	simm.s32 $0x80;
	[tilespmem:$0x50] =	vst v7;
	v7 =	vadd.s32 v0, v6;
	v6 =	vld [tilespmem:$0x1C0]  }
.LBB2_1:
0x58: {  	s29 =	sadd.s32 $0xFFFFFFFF, s29;
	[tilespmem:$0x170] =	vst v7;
	v7 =	vld [tilespmem:$0x1D0]  }
0x59: {  	p1 =	sne.s32 s29, $0x0;
	v8 =	vld [tilespmem:$0x1E0]  }
0x5a: {  	v3 =	vadd.s32 v0, v3;
	v5 =	vadd.s32 v0, v5  }
0x5b: {  	v1 =	vadd.s32 v0, v1;
	v4 =	vadd.s32 v0, v4;
	[tilespmem:$0xF0] =	vst v5  }
0x5c: {  	v2 =	vadd.s32 v0, v2;
	[tilespmem:$0x10] =	vst v3;
	v3 =	vadd.s32 v0, v6  }
0x5d: {  	[tilespmem:$0x1C0] =	vst v3;
	v3 =	vadd.s32 v0, v7  }
0x5e: {  	[tilespmem:$0x1D0] =	vst v3;
	v3 =	vadd.s32 v0, v8  }
0x5f: {  	[tilespmem:$0x1E0] =	vst v3  }
0x60: {  	[tilespmem:$0x1B0] =	vst v1  }
0x61: {  	[tilespmem:$0x20] =	vst v2  }
0x62: {  	[tilespmem:$0x0] =	vst v4  }
0x63: {  	[bflag:$0x0] =	sbarrier.arrive $0xFFFF  }
0x64: {  	[tilespmem:s20], [sflag:$0x1] =	stream.indirect.gather [hbm4b:s3+s21], $0x80, s2, s21, $0xb8;
	[tilespmem:$0x10E00] =	vst v63  }
0x65: {  	_ = 	snop  }
0x66: {  	[tilespmem:s23], [sflag:$0x1] =	stream.indirect.gather [hbm4b:s3+s21], $0x80, s21, s21, $0xb8;
	[tilespmem:$0x10E00] =	vst v63  }
0x67: {  	_ = 	snop  }
0x68: {  	[tilespmem:s25], [sflag:$0x1] =	stream.indirect.gather [hbm4b:s3+s21], $0x80, s24, s21, $0xb8;
	[tilespmem:$0x10E00] =	vst v63  }
0x69: {  	_ = 	snop  }
0x6a: {  	[tilespmem:s28], [sflag:$0x1] =	stream.indirect.gather [hbm4b:s3+s21], $0x80, s26, s21, $0xb8;
	[tilespmem:$0x10E00] =	vst v63  }
0x6b: {  	_ =	swait.ge [sflag:s11], $0x4000  }
0x6c: {  	[sflag:s11] =	ssyncset.done $0x0  }
0x6d: {  	[sflag:s11] =	ssyncadd.s32 $0xFFFFC000  }
0x6e: {  	_ =	swait.ge [sflag:s11], $0x4000  }
0x6f: {  	[sflag:s11] =	ssyncset.done $0x0  }
0x70: {  	[sflag:s11] =	ssyncadd.s32 $0xFFFFC000  }
0x71: {  	_ =	swait.ge [sflag:s11], $0x4000  }
0x72: {  	[sflag:s11] =	ssyncset.done $0x0  }
0x73: {  	[sflag:s11] =	ssyncadd.s32 $0xFFFFC000  }
0x74: {  	_ =	swait.ge [sflag:s11], $0x4000  }
0x75: {  	[sflag:s11] =	ssyncset.done $0x0  }
0x76: {  	[sflag:s11] =	ssyncadd.s32 $0xFFFFC000  }
0x77: {  	[hbm4b:s19+s2] =	stream.linear.scatter [tilespmem:s20], [sflag:$0x3], $0x10000, $0x38;
	[tilespmem:$0x10E00] =	vst v63  }
0x78: {  	_ =	swait.ge [sflag:s22], $0x10000  }
0x79: {  	[sflag:s22] =	ssyncset.done $0x0  }
0x7a: {  	[sflag:s22] =	ssyncadd.s32 $0xFFFF0000  }
0x7b: {  	[tilespmem:s2], [sflag:$0x1] =	stream.linear.gather [hbm4b:s4+s2], $0x200, $0x38;
	[tilespmem:$0x10E00] =	vst v63  }
0x7c: {  	_ = 	snop  }
0x7d: {  	[tilespmem:s7], [sflag:$0x3] =	stream.linear.gather @!p0 [hbm4b:s5+s6], $0xC00, $0x38;
	[tilespmem:$0x10E00] =	vst v63  }
0x7e: {  	_ =	swait.ge @!p0 [sflag:s8], $0xC00  }
0x7f: {  	[sflag:s8] =	ssyncset.done @!p0 $0x0  }
0x80: {  	[sflag:s8] =	ssyncadd.s32 @!p0 $0xFFFFF400  }
0x81: {  	[hbm4b:s9+s6] =	stream.linear.scatter @!p0 [tilespmem:s7], [sflag:$0x2], $0xC00, $0x38;
	[tilespmem:$0x10E00] =	vst v63  }
0x82: {  	_ = 	snop  }
0x83: {  	[hbm4b:s10+s6] =	stream.linear.scatter @!p0 [tilespmem:s7], [sflag:$0x2], $0xC00, $0x38;
	[tilespmem:$0x10E00] =	vst v63  }
0x84: {  	_ = 	snop  }
0x85: {  	[hbm4b:s12+s6] =	stream.linear.scatter @!p0 [tilespmem:s7], [sflag:$0x2], $0xC00, $0x38;
	[tilespmem:$0x10E00] =	vst v63  }
0x86: {  	_ = 	snop  }
0x87: {  	[hbm4b:s13+s6] =	stream.linear.scatter @!p0 [tilespmem:s7], [sflag:$0x2], $0xC00, $0x38;
	[tilespmem:$0x10E00] =	vst v63  }
0x88: {  	_ = 	snop  }
0x89: {  	[hbm4b:s14+s6] =	stream.linear.scatter @!p0 [tilespmem:s7], [sflag:$0x2], $0xC00, $0x38;
	[tilespmem:$0x10E00] =	vst v63  }
0x8a: {  	_ = 	snop  }
0x8b: {  	[hbm4b:s15+s6] =	stream.linear.scatter @!p0 [tilespmem:s7], [sflag:$0x2], $0xC00, $0x38;
	[tilespmem:$0x10E00] =	vst v63  }
0x8c: {  	_ = 	snop  }
0x8d: {  	[hbm4b:s16+s6] =	stream.linear.scatter @!p0 [tilespmem:s7], [sflag:$0x2], $0xC00, $0x38;
	[tilespmem:$0x10E00] =	vst v63  }
0x8e: {  	_ = 	snop  }
0x8f: {  	[hbm4b:s17+s6] =	stream.linear.scatter @!p0 [tilespmem:s7], [sflag:$0x2], $0xC00, $0x38;
	[tilespmem:$0x10E00] =	vst v63  }
0x90: {  	_ =	swait.ge @!p0 [sflag:s18], $0xC00  }
0x91: {  	[sflag:s18] =	ssyncset.done @!p0 $0x0  }
0x92: {  	[sflag:s18] =	ssyncadd.s32 @!p0 $0xFFFFF400  }
0x93: {  	_ =	swait.ge @!p0 [sflag:s18], $0xC00  }
0x94: {  	[sflag:s18] =	ssyncset.done @!p0 $0x0  }
0x95: {  	[sflag:s18] =	ssyncadd.s32 @!p0 $0xFFFFF400  }
0x96: {  	_ =	swait.ge @!p0 [sflag:s18], $0xC00  }
0x97: {  	[sflag:s18] =	ssyncset.done @!p0 $0x0  }
0x98: {  	[sflag:s18] =	ssyncadd.s32 @!p0 $0xFFFFF400  }
0x99: {  	_ =	swait.ge @!p0 [sflag:s18], $0xC00  }
0x9a: {  	[sflag:s18] =	ssyncset.done @!p0 $0x0  }
0x9b: {  	[sflag:s18] =	ssyncadd.s32 @!p0 $0xFFFFF400  }
0x9c: {  	_ =	swait.ge @!p0 [sflag:s18], $0xC00  }
0x9d: {  	[sflag:s18] =	ssyncset.done @!p0 $0x0  }
0x9e: {  	[sflag:s18] =	ssyncadd.s32 @!p0 $0xFFFFF400  }
0x9f: {  	_ =	swait.ge @!p0 [sflag:s18], $0xC00  }
0xa0: {  	[sflag:s18] =	ssyncset.done @!p0 $0x0  }
0xa1: {  	[sflag:s18] =	ssyncadd.s32 @!p0 $0xFFFFF400  }
0xa2: {  	_ =	swait.ge @!p0 [sflag:s18], $0xC00  }
0xa3: {  	[sflag:s18] =	ssyncset.done @!p0 $0x0  }
0xa4: {  	[sflag:s18] =	ssyncadd.s32 @!p0 $0xFFFFF400  }
0xa5: {  	_ =	swait.ge @!p0 [sflag:s18], $0xC00  }
0xa6: {  	[sflag:s18] =	ssyncset.done @!p0 $0x0  }
0xa7: {  	[sflag:s18] =	ssyncadd.s32 @!p0 $0xFFFFF400  }
0xa8: {  	_ =	swait.ge [sflag:s11], $0x200  }
0xa9: {  	[sflag:s11] =	ssyncset.done $0x0  }
0xaa: {  	[sflag:s11] =	ssyncadd.s32 $0xFFFFFE00  }
0xab: {  	v2 =	vld [tilespmem:$0x1F0]  }
0xac: {  	v1 =	vld [tilespmem:$0x1B0]  }
0xad: {  	v3 =	vld [tilespmem:$0x130]  }
0xae: {  	v4 =	vld [tilespmem:$0x1A0]  }
0xaf: {  	v5 =	vld [tilespmem:$0x190]  }
0xb0: {  	v6 =	vld [tilespmem:$0x180];
	v2 =	vadd.s32 v0, v2  }
0xb1: {  	v7 =	vld [tilespmem:$0x160];
	[tilespmem:$0x1F0] =	vst v2  }
0xb2: {  	v2 =	vadd.s32 v0, v3;
	v3 =	vld [tilespmem:$0x150]  }
0xb3: {  	[tilespmem:$0x130] =	vst v2;
	v2 =	vld [tilespmem:$0x140];
	v4 =	vadd.s32 v0, v4  }
0xb4: {  	v8 =	vld [tilespmem:$0xB0];
	v5 =	vadd.s32 v0, v5;
	[tilespmem:$0x1A0] =	vst v4  }
0xb5: {  	v4 =	vld [tilespmem:$0x120];
	v6 =	vadd.s32 v0, v6;
	[tilespmem:$0x190] =	vst v5  }
0xb6: {  	v5 =	vld [tilespmem:$0x110];
	v7 =	vadd.s32 v0, v7;
	[tilespmem:$0x180] =	vst v6  }
0xb7: {  	v6 =	vld [tilespmem:$0x100];
	v3 =	vadd.s32 v0, v3;
	[tilespmem:$0x160] =	vst v7  }
0xb8: {  	v7 =	vld [tilespmem:$0xE0];
	v2 =	vadd.s32 v0, v2;
	[tilespmem:$0x150] =	vst v3  }
0xb9: {  	v3 =	vadd.s32 v0, v8;
	v8 =	vld [tilespmem:$0xD0];
	[tilespmem:$0x140] =	vst v2  }
0xba: {  	[tilespmem:$0xB0] =	vst v3;
	v2 =	vld [tilespmem:$0xC0];
	v3 =	vadd.s32 v0, v4  }
0xbb: {  	v4 =	vld [tilespmem:$0x30];
	v5 =	vadd.s32 v0, v5;
	[tilespmem:$0x120] =	vst v3  }
0xbc: {  	v3 =	vld [tilespmem:$0xA0];
	v6 =	vadd.s32 v0, v6;
	[tilespmem:$0x110] =	vst v5  }
0xbd: {  	v5 =	vld [tilespmem:$0x90];
	v7 =	vadd.s32 v0, v7;
	[tilespmem:$0x100] =	vst v6  }
0xbe: {  	v6 =	vld [tilespmem:$0x80];
	v8 =	vadd.s32 v0, v8;
	[tilespmem:$0xE0] =	vst v7  }
0xbf: {  	v7 =	vld [tilespmem:$0x70];
	v2 =	vadd.s32 v0, v2;
	[tilespmem:$0xD0] =	vst v8  }
0xc0: {  	v4 =	vadd.s32 v0, v4;
	v8 =	vld [tilespmem:$0x60];
	[tilespmem:$0xC0] =	vst v2  }
0xc1: {  	[tilespmem:$0x30] =	vst v4;
	v4 =	vld [tilespmem:$0x50];
	v2 =	vadd.s32 v0, v3  }
0xc2: {  	v9 =	vld [tilespmem:$0x40];
	v3 =	vadd.s32 v0, v5;
	[tilespmem:$0xA0] =	vst v2  }
0xc3: {  	v5 =	vadd.s32 v0, v6;
	[tilespmem:$0x90] =	vst v3;
	v6 =	vld [tilespmem:$0x170]  }
.Ltmp1:
0xc4: {  	v2 =	vld [tilespmem:$0x20];
	v7 =	vadd.s32 v0, v7;
	[tilespmem:$0x80] =	vst v5;
	(pc) =	sbr.rel @p1 .LBB2_1-.Ltmp1, $4  }
0xc5: {  	v3 =	vld [tilespmem:$0x10];
	v5 =	vadd.s32 v0, v8;
	[tilespmem:$0x70] =	vst v7  }
0xc6: {  	v7 =	vadd.s32 v0, v4;
	[tilespmem:$0x60] =	vst v5;
	v5 =	vld [tilespmem:$0xF0]  }
0xc7: {  	v4 =	vld [tilespmem:$0x0];
	v8 =	vadd.s32 v0, v9;
	[tilespmem:$0x50] =	vst v7  }
0xc8: {  	[tilespmem:$0x40] =	vst v8;
	v7 =	vadd.s32 v0, v6;
	v6 =	vld [tilespmem:$0x1C0]  }
.LBB2_2:
0xc9: {  	[tilespmem:$0x170] =	vst v7;
	v1 =	vadd.s32 v0, v1  }
0xca: {  	v8 =	vld [tilespmem:$0x1D0];
	v2 =	vadd.s32 v0, v2;
	[tilespmem:$0x1B0] =	vst v1  }
0xcb: {  	v9 =	vld [tilespmem:$0x1E0];
	v3 =	vadd.s32 v0, v3;
	[tilespmem:$0x20] =	vst v2  }
0xcc: {  	v5 =	vadd.s32 v0, v5;
	[tilespmem:$0x10] =	vst v3  }
0xcd: {  	[tilespmem:$0xF0] =	vst v5;
	v63 =	vadd.s32 v0, v4  }
0xce: {  	v60 =	vadd.s32 v0, v6;
	[tilespmem:$0x0] =	vst v63  }
0xcf: {  	[tilespmem:$0x1C0] =	vst v60;
	v61 =	vadd.s32 v0, v8  }
0xd0: {  	v62 =	vadd.s32 v0, v9;
	[tilespmem:$0x1D0] =	vst v61  }
0xd1: {  	[tilespmem:$0x1E0] =	vst v62  }
0xd2: {  	[bflag:$0x0] =	sbarrier.arrive $0xFFFF  }
0xd3: {  	[tilespmem:s20], [sflag:$0x1] =	stream.indirect.gather [hbm4b:s3+s21], $0x80, s2, s21, $0xb8;
	[tilespmem:$0x10E00] =	vst v63  }
0xd4: {  	_ = 	snop  }
0xd5: {  	[tilespmem:s23], [sflag:$0x1] =	stream.indirect.gather [hbm4b:s3+s21], $0x80, s21, s21, $0xb8;
	[tilespmem:$0x10E00] =	vst v63  }
0xd6: {  	_ = 	snop  }
0xd7: {  	[tilespmem:s25], [sflag:$0x1] =	stream.indirect.gather [hbm4b:s3+s21], $0x80, s24, s21, $0xb8;
	[tilespmem:$0x10E00] =	vst v63  }
0xd8: {  	_ = 	snop  }
0xd9: {  	[tilespmem:s28], [sflag:$0x1] =	stream.indirect.gather [hbm4b:s3+s21], $0x80, s26, s21, $0xb8;
	[tilespmem:$0x10E00] =	vst v63  }
0xda: {  	_ =	swait.ge [sflag:s11], $0x4000  }
0xdb: {  	[sflag:s11] =	ssyncset.done $0x0  }
0xdc: {  	[sflag:s11] =	ssyncadd.s32 $0xFFFFC000  }
0xdd: {  	_ =	swait.ge [sflag:s11], $0x4000  }
0xde: {  	[sflag:s11] =	ssyncset.done $0x0  }
0xdf: {  	[sflag:s11] =	ssyncadd.s32 $0xFFFFC000  }
0xe0: {  	_ =	swait.ge [sflag:s11], $0x4000  }
0xe1: {  	[sflag:s11] =	ssyncset.done $0x0  }
0xe2: {  	[sflag:s11] =	ssyncadd.s32 $0xFFFFC000  }
0xe3: {  	_ =	swait.ge [sflag:s11], $0x4000  }
0xe4: {  	[sflag:s11] =	ssyncset.done $0x0  }
0xe5: {  	[sflag:s11] =	ssyncadd.s32 $0xFFFFC000  }
0xe6: {  	[hbm4b:s19+s2] =	stream.linear.scatter [tilespmem:s20], [sflag:$0x3], $0x10000, $0x38;
	[tilespmem:$0x10E00] =	vst v63  }
0xe7: {  	_ =	swait.ge [sflag:s22], $0x10000  }
0xe8: {  	[sflag:s22] =	ssyncset.done $0x0  }
0xe9: {  	[sflag:s22] =	ssyncadd.s32 $0xFFFF0000  }
0xea: {  	_ =	sfence.sel $0x180000  }
0xeb: {  	[bflag:$0x0] =	sbarrier.arrive $0xFFFF  }
0xec: {  	p0 =	sne.s32 s1, $0x0;
	_ =	strace $0x90000047  }
0xed: {  	s0 =	sadd.s32 @!p0 $0x100000, s0;
	[bflag:$0x2] =	sbarrier.arrive $0xFFFF  }
0xee: {  	[sflag:s0] =	ssyncadd.tile.s32 @!p0 $0x1;
	_ =	shalt  }
.Lfunc_end2:
_tile_overlayer_lowered:
.L_overlay_start_2:
0xef: {  	(tag) =	ssettag $0x2  }
0xf0: {  	s0 =	rddreg [dreg:$0x0];
	s2 =	stileid.u32  }
0xf1: {  	s1 =	rddreg [dreg:$0x1];
	p0 =	sne.s32 s2, $0x0  }
0xf2: {  	s3 =	rddreg [dreg:$0x2];
	[bflag:$0x3] =	sbarrier.arrive $0xFFFF;
	s2 =	simm.s32 @!p0 $0x1C03  }
0xf3: {  	[timem:s3], [sflag:s2] =	dma.local @!p0 [hbm:s0], s1  }
0xf4: {  	s0 =	simm.s32 @!p0 $0x3  }
0xf5: {  	_ =	swait.ge @!p0 [sflag:s0], s1  }
0xf6: {  	s1 =	ssub.s32 @!p0 $0x0, s1;
	[sflag:s0] =	ssyncset.done @!p0 $0x0  }
0xf7: {  	[sflag:s0] =	ssyncadd.s32 @!p0 s1  }
0xf8: {  	[bflag:$0x3] =	sbarrier.arrive $0xFFFF  }
0xf9: {  	_ =	shalt  }

</sc_bundles>
